<compile_context>
chip_gen: v7x
topology: tpu7x:2x2x1
jax: 0.10.2.dev20260603
libtpu: 0.0.44.dev20260713+nightly
codegen_flags: <defaults>
</compile_context>

<pallas_src>
import functools

import jax
import jax.numpy as jnp
from jax import lax
from jax.experimental import pallas as pl
from jax.experimental.pallas import tpu as pltpu
from jax.experimental.pallas import tpu_sc as plsc

N = 100000
D = 128
B = 500000

NC = 2
NS = 16
NW = NC * NS
L = 16

C = 128
K = 124
BP = NW * C * K
EPW = C * K
GPC = C // L


def _sc_logits_body(emb_hbm, eidx_hbm, out_hbm,
                    eidx, rows0, rows1, lg, sem0, sem1):
    wid = lax.axis_index("s") * NC + lax.axis_index("c")

    pltpu.sync_copy(eidx_hbm.at[pl.ds(wid * K, K)], eidx)

    bufs = (rows0, rows1)
    sems = (sem0, sem1)

    def gather(k, b, issue):
        start = pltpu.async_copy if issue else pltpu.make_async_copy
        return (
            start(emb_hbm.at[eidx.at[k, 0]],
                  bufs[b].at[pl.ds(0, C)], sems[b]),
            start(emb_hbm.at[eidx.at[k, 1]],
                  bufs[b].at[pl.ds(C, C)], sems[b]),
        )

    for b in range(2):
        gather(b, b, issue=True)

    lane15 = lax.iota(jnp.int32, L) == (L - 1)

    def pair_body(kk, carry):
        for b in range(2):
            k = 2 * kk + b
            for c in gather(k, b, issue=False):
                c.wait()

            @pl.when(kk < (K // 2) - 1)
            def _issue_next():
                gather(k + 2, b, issue=True)

            buf = bufs[b]

            @plsc.parallel_loop(0, C, unroll=4)
            def edge_body(e):
                acc0 = buf[2 * e, pl.ds(0, L)] * buf[2 * e + 1, pl.ds(0, L)]
                acc1 = (buf[2 * e, pl.ds(L, L)]
                        * buf[2 * e + 1, pl.ds(L, L)])
                for f in range(2, D // L, 2):
                    acc0 = acc0 + (buf[2 * e, pl.ds(f * L, L)]
                                   * buf[2 * e + 1, pl.ds(f * L, L)])
                    acc1 = acc1 + (buf[2 * e, pl.ds((f + 1) * L, L)]
                                   * buf[2 * e + 1, pl.ds((f + 1) * L, L)])
                tot = plsc.cumsum(acc0 + acc1)
                plsc.store_scatter(lg, [jnp.full((L,), k * C + e, jnp.int32)],
                                   tot, mask=lane15)
        return carry

    lax.fori_loop(0, K // 2, pair_body, 0)
    pltpu.sync_copy(lg, out_hbm.at[pl.ds(wid * EPW, EPW)])


_sc_logits = functools.partial(
    pl.kernel,
    out_type=jax.ShapeDtypeStruct((BP,), jnp.float32),
    mesh=plsc.VectorSubcoreMesh(
        core_axis_name="c", subcore_axis_name="s",
        num_cores=NC, num_subcores=NS),
    compiler_params=pltpu.CompilerParams(needs_layout_passes=False),
    scratch_types=[
        pltpu.VMEM((K, 2, C), jnp.int32),
        pltpu.VMEM((2 * C, D), jnp.float32),
        pltpu.VMEM((2 * C, D), jnp.float32),
        pltpu.VMEM((EPW,), jnp.float32),
        pltpu.SemaphoreType.DMA,
        pltpu.SemaphoreType.DMA,
    ],
)(_sc_logits_body)


def _bce_body(x_ref, y_ref, o_ref):
    x = x_ref[...]
    y = y_ref[...]
    rows, cols = x.shape
    lin = (lax.broadcasted_iota(jnp.int32, (rows, cols), 0) * cols
           + lax.broadcasted_iota(jnp.int32, (rows, cols), 1))
    elt = jnp.maximum(x, 0.0) - x * y + jnp.log1p(jnp.exp(-jnp.abs(x)))
    elt = jnp.where(lin < B, elt, 0.0)
    o_ref[...] = (jnp.sum(elt) / B).reshape(1, 1)


def kernel(node_emb, edge_index, edge_label):
    pad = BP - B
    eidx = jnp.pad(edge_index, ((0, pad), (0, 0))).reshape(NW * K, 2, C)

    logits = _sc_logits(node_emb, eidx)

    rows = BP // 128
    logits2d = logits.reshape(rows, 128)
    labels2d = jnp.pad(edge_label, (0, pad)).reshape(rows, 128)

    loss = pl.pallas_call(
        _bce_body,
        out_shape=jax.ShapeDtypeStruct((1, 1), jnp.float32),
    )(logits2d, labels2d)
    return loss[0, 0]

# --- scband reference (transcript-rebuilt; emitter-appended) ---
"""Pipeline reference for scband-link-prediction-31044023615877 (READ-ONLY COPY).

The authoritative reference and input builder live on the scoring server;
editing this copy changes nothing except your own understanding.
"""

import jax, jax.numpy as jnp
import numpy as np

N = 100000
D = 128
B = 500000

def setup_inputs(seed: int = 0) -> dict:
    key = jax.random.key(seed)
    k1, k2, k3 = jax.random.split(key, 3)
    node_emb = jax.random.normal(k1, (N, D), dtype=jnp.float32)
    edge_index = jax.random.randint(k2, (B, 2), 0, N, dtype=jnp.int32)
    edge_label = (jax.random.uniform(k3, (B,)) > 0.5).astype(jnp.float32)
    return {"node_emb": node_emb, "edge_index": edge_index, "edge_label": edge_label}

def reference(node_emb, edge_index, edge_label):
    # node_emb[batch_edge_index[:,0]] * node_emb[batch_edge_index[:,1]] summed over feature dim
    src = jnp.take(node_emb, edge_index[:, 0], axis=0)
    dst = jnp.take(node_emb, edge_index[:, 1], axis=0)
    logits = jnp.sum(src * dst, axis=-1)
    # BCEWithLogitsLoss (mean reduction), numerically stable form
    loss = jnp.mean(jnp.maximum(logits, 0.0) - logits * edge_label + jnp.log1p(jnp.exp(-jnp.abs(logits))))
    return loss

if __name__ == "__main__":
    import jax
    _d = setup_inputs()
    print(jax.jit(kernel)(*tuple(_d.values())))

</pallas_src>

<mosaic_0001>
#map = affine_map<(d0, d1) -> (0, 0)>
#map1 = affine_map<(d0, d1) -> (0, 0, 0)>
#map2 = affine_map<(d0, d1) -> (0)>
module attributes {stable_mosaic.version = 14 : i64} {
  func.func @_sc_logits_body(%arg0: i32, %arg1: i32, %arg2: memref<100000x128xf32, #tpu.memory_space<hbm>>, %arg3: memref<3968x2x128xi32, #tpu.memory_space<hbm>>, %arg4: memref<507904xf32, #tpu.memory_space<hbm>>, %arg5: memref<124x2x128xi32, #tpu.memory_space<vmem>>, %arg6: memref<256x128xf32, #tpu.memory_space<vmem>>, %arg7: memref<256x128xf32, #tpu.memory_space<vmem>>, %arg8: memref<15872xf32, #tpu.memory_space<vmem>>, %arg9: memref<!tpu.dma_semaphore, #tpu.memory_space<semaphore_mem>>, %arg10: memref<!tpu.dma_semaphore, #tpu.memory_space<semaphore_mem>>) attributes {dimension_semantics = [#tpu.dimension_semantics<core_parallel>, #tpu.dimension_semantics<subcore_parallel>], iteration_bounds = array<i64: 2, 16>, scalar_prefetch = 0 : i64, scratch_operands = 6 : i64, tpu.core_type = #tpu.core_type<sc_vector_subcore>, window_params = [{transform_indices = #map}, {transform_indices = #map1}, {transform_indices = #map2}]} {
    %mul3A = arith.constant 2 : i32
    %mul3A_0 = arith.muli %arg1, %mul3A : i32
    %add3A = arith.addi %mul3A_0, %arg0 : i32
    %mul3A_1 = arith.constant 124 : i32
    %mul3A_2 = arith.muli %add3A, %mul3A_1 : i32
    "tpu.region"() ({
      %run_scoped3A = tpu.sem_alloc : memref<!tpu.dma_semaphore, #tpu.memory_space<semaphore_mem>>
      %dma_start3A_55 = arith.constant 0 : i32
      %dma_start3A_56 = arith.constant 0 : i32
      %dma_start3A_57 = tpu.memref_slice %arg3[%mul3A_2, %dma_start3A_55, %dma_start3A_56] : memref<3968x2x128xi32, #tpu.memory_space<hbm>> -> memref<124x2x128xi32, #tpu.memory_space<hbm>>
      %dma_start3A_58 = arith.constant 0 : i32
      %dma_start3A_59 = arith.constant 0 : i32
      %dma_start3A_60 = tpu.memref_slice %arg3[%mul3A_2, %dma_start3A_58, %dma_start3A_59] : memref<3968x2x128xi32, #tpu.memory_space<hbm>> -> memref<124x2x128xi32, #tpu.memory_space<hbm>>
      tpu.enqueue_dma source(%dma_start3A_60 : memref<124x2x128xi32, #tpu.memory_space<hbm>>) target(%arg5 : memref<124x2x128xi32, #tpu.memory_space<vmem>>) target_semaphore(%run_scoped3A : memref<!tpu.dma_semaphore, #tpu.memory_space<semaphore_mem>>)
      %dma_wait3A = arith.constant 0 : i32
      %dma_wait3A_61 = arith.constant 0 : i32
      %dma_wait3A_62 = tpu.memref_slice %arg3[%mul3A_2, %dma_wait3A, %dma_wait3A_61] : memref<3968x2x128xi32, #tpu.memory_space<hbm>> -> memref<124x2x128xi32, #tpu.memory_space<hbm>>
      %dma_wait3A_63 = arith.constant 0 : i32
      %dma_wait3A_64 = arith.constant 0 : i32
      %dma_wait3A_65 = tpu.memref_slice %arg3[%mul3A_2, %dma_wait3A_63, %dma_wait3A_64] : memref<3968x2x128xi32, #tpu.memory_space<hbm>> -> memref<124x2x128xi32, #tpu.memory_space<hbm>>
      tpu.wait_dma2 semaphore(%run_scoped3A : memref<!tpu.dma_semaphore, #tpu.memory_space<semaphore_mem>>) src(%dma_wait3A_65 : memref<124x2x128xi32, #tpu.memory_space<hbm>>) dst(%arg5 : memref<124x2x128xi32, #tpu.memory_space<vmem>>)
      tpu.yield
    }) : () -> ()
    %dma_start3A = arith.constant 0 : i32
    %dma_start3A_3 = arith.constant 0 : i32
    %dma_start3A_4 = arith.constant 0 : i32
    %dma_start3A_5 = arith.constant 0 : i32
    %dma_start3A_6 = tpu.memref_slice %arg6[%dma_start3A_4, %dma_start3A_5] : memref<256x128xf32, #tpu.memory_space<vmem>> -> memref<128x128xf32, #tpu.memory_space<vmem>>
    %dma_start3A_7 = arith.constant 0 : i32
    %dma_start3A_8 = tpu.memref_slice %arg5[%dma_start3A, %dma_start3A_3, %dma_start3A_7] : memref<124x2x128xi32, #tpu.memory_space<vmem>> -> memref<1x1x128xi32, #tpu.memory_space<vmem>>
    %dma_start3A_9 = tpu.memref_squeeze %dma_start3A_8 : memref<1x1x128xi32, #tpu.memory_space<vmem>> -> memref<128xi32, #tpu.memory_space<vmem>>
    %dma_start3A_10 = arith.constant 0 : i32
    %dma_start3A_11 = arith.constant 0 : i32
    %dma_start3A_12 = tpu.memref_slice %arg2[%dma_start3A_10, %dma_start3A_11] : memref<100000x128xf32, #tpu.memory_space<hbm>> -> memref<100000x128xf32, #tpu.memory_space<hbm>>
    tpu.enqueue_indirect_dma source(%dma_start3A_12 : memref<100000x128xf32, #tpu.memory_space<hbm>>) target(%dma_start3A_6 : memref<128x128xf32, #tpu.memory_space<vmem>>) offsets(%dma_start3A_9 : memref<128xi32, #tpu.memory_space<vmem>>) semaphore(%arg9 : memref<!tpu.dma_semaphore, #tpu.memory_space<semaphore_mem>>)
    %dma_start3A_13 = arith.constant 0 : i32
    %dma_start3A_14 = arith.constant 1 : i32
    %dma_start3A_15 = arith.constant 128 : i32
    %dma_start3A_16 = arith.constant 0 : i32
    %dma_start3A_17 = tpu.memref_slice %arg6[%dma_start3A_15, %dma_start3A_16] : memref<256x128xf32, #tpu.memory_space<vmem>> -> memref<128x128xf32, #tpu.memory_space<vmem>>
    %dma_start3A_18 = arith.constant 0 : i32
    %dma_start3A_19 = tpu.memref_slice %arg5[%dma_start3A_13, %dma_start3A_14, %dma_start3A_18] : memref<124x2x128xi32, #tpu.memory_space<vmem>> -> memref<1x1x128xi32, #tpu.memory_space<vmem>>
    %dma_start3A_20 = tpu.memref_squeeze %dma_start3A_19 : memref<1x1x128xi32, #tpu.memory_space<vmem>> -> memref<128xi32, #tpu.memory_space<vmem>>
    %dma_start3A_21 = arith.constant 0 : i32
    %dma_start3A_22 = arith.constant 0 : i32
    %dma_start3A_23 = tpu.memref_slice %arg2[%dma_start3A_21, %dma_start3A_22] : memref<100000x128xf32, #tpu.memory_space<hbm>> -> memref<100000x128xf32, #tpu.memory_space<hbm>>
    tpu.enqueue_indirect_dma source(%dma_start3A_23 : memref<100000x128xf32, #tpu.memory_space<hbm>>) target(%dma_start3A_17 : memref<128x128xf32, #tpu.memory_space<vmem>>) offsets(%dma_start3A_20 : memref<128xi32, #tpu.memory_space<vmem>>) semaphore(%arg9 : memref<!tpu.dma_semaphore, #tpu.memory_space<semaphore_mem>>)
    %dma_start3A_24 = arith.constant 1 : i32
    %dma_start3A_25 = arith.constant 0 : i32
    %dma_start3A_26 = arith.constant 0 : i32
    %dma_start3A_27 = arith.constant 0 : i32
    %dma_start3A_28 = tpu.memref_slice %arg7[%dma_start3A_26, %dma_start3A_27] : memref<256x128xf32, #tpu.memory_space<vmem>> -> memref<128x128xf32, #tpu.memory_space<vmem>>
    %dma_start3A_29 = arith.constant 0 : i32
    %dma_start3A_30 = tpu.memref_slice %arg5[%dma_start3A_24, %dma_start3A_25, %dma_start3A_29] : memref<124x2x128xi32, #tpu.memory_space<vmem>> -> memref<1x1x128xi32, #tpu.memory_space<vmem>>
    %dma_start3A_31 = tpu.memref_squeeze %dma_start3A_30 : memref<1x1x128xi32, #tpu.memory_space<vmem>> -> memref<128xi32, #tpu.memory_space<vmem>>
    %dma_start3A_32 = arith.constant 0 : i32
    %dma_start3A_33 = arith.constant 0 : i32
    %dma_start3A_34 = tpu.memref_slice %arg2[%dma_start3A_32, %dma_start3A_33] : memref<100000x128xf32, #tpu.memory_space<hbm>> -> memref<100000x128xf32, #tpu.memory_space<hbm>>
    tpu.enqueue_indirect_dma source(%dma_start3A_34 : memref<100000x128xf32, #tpu.memory_space<hbm>>) target(%dma_start3A_28 : memref<128x128xf32, #tpu.memory_space<vmem>>) offsets(%dma_start3A_31 : memref<128xi32, #tpu.memory_space<vmem>>) semaphore(%arg10 : memref<!tpu.dma_semaphore, #tpu.memory_space<semaphore_mem>>)
    %dma_start3A_35 = arith.constant 1 : i32
    %dma_start3A_36 = arith.constant 1 : i32
    %dma_start3A_37 = arith.constant 128 : i32
    %dma_start3A_38 = arith.constant 0 : i32
    %dma_start3A_39 = tpu.memref_slice %arg7[%dma_start3A_37, %dma_start3A_38] : memref<256x128xf32, #tpu.memory_space<vmem>> -> memref<128x128xf32, #tpu.memory_space<vmem>>
    %dma_start3A_40 = arith.constant 0 : i32
    %dma_start3A_41 = tpu.memref_slice %arg5[%dma_start3A_35, %dma_start3A_36, %dma_start3A_40] : memref<124x2x128xi32, #tpu.memory_space<vmem>> -> memref<1x1x128xi32, #tpu.memory_space<vmem>>
    %dma_start3A_42 = tpu.memref_squeeze %dma_start3A_41 : memref<1x1x128xi32, #tpu.memory_space<vmem>> -> memref<128xi32, #tpu.memory_space<vmem>>
    %dma_start3A_43 = arith.constant 0 : i32
    %dma_start3A_44 = arith.constant 0 : i32
    %dma_start3A_45 = tpu.memref_slice %arg2[%dma_start3A_43, %dma_start3A_44] : memref<100000x128xf32, #tpu.memory_space<hbm>> -> memref<100000x128xf32, #tpu.memory_space<hbm>>
    tpu.enqueue_indirect_dma source(%dma_start3A_45 : memref<100000x128xf32, #tpu.memory_space<hbm>>) target(%dma_start3A_39 : memref<128x128xf32, #tpu.memory_space<vmem>>) offsets(%dma_start3A_42 : memref<128xi32, #tpu.memory_space<vmem>>) semaphore(%arg10 : memref<!tpu.dma_semaphore, #tpu.memory_space<semaphore_mem>>)
    %iota3A = tpu.iota {dimensions = array<i32: 0>} : vector<16xi32>
    %eq3A = arith.constant 15 : i32
    %eq3A_46 = vector.broadcast %eq3A : i32 to vector<16xi32>
    %eq3A_47 = arith.cmpi eq, %iota3A, %eq3A_46 : vector<16xi32>
    %scan3A = arith.constant 0 : i32
    %scan3A_48 = arith.constant 0 : i32
    %scan3A_49 = arith.constant 62 : i32
    %scan3A_50 = arith.addi %scan3A_48, %scan3A_49 : i32
    %scan3A_51 = arith.constant 1 : i32
    scf.for %scan3A_55 = %scan3A_48 to %scan3A_50 step %scan3A_51  : i32 {
      %mul3A_56 = arith.constant 2 : i32
      %mul3A_57 = arith.muli %mul3A_56, %scan3A_55 : i32
      %add3A_58 = arith.constant 0 : i32
      %add3A_59 = arith.addi %mul3A_57, %add3A_58 : i32
      %dma_wait3A = arith.constant 0 : i32
      %dma_wait3A_60 = arith.constant 0 : i32
      %dma_wait3A_61 = arith.constant 0 : i32
      %dma_wait3A_62 = tpu.memref_slice %arg6[%dma_wait3A_60, %dma_wait3A_61] : memref<256x128xf32, #tpu.memory_space<vmem>> -> memref<128x128xf32, #tpu.memory_space<vmem>>
      %dma_wait3A_63 = arith.constant 0 : i32
      %dma_wait3A_64 = tpu.memref_slice %arg5[%add3A_59, %dma_wait3A, %dma_wait3A_63] : memref<124x2x128xi32, #tpu.memory_space<vmem>> -> memref<1x1x128xi32, #tpu.memory_space<vmem>>
      %dma_wait3A_65 = tpu.memref_squeeze %dma_wait3A_64 : memref<1x1x128xi32, #tpu.memory_space<vmem>> -> memref<128xi32, #tpu.memory_space<vmem>>
      %dma_wait3A_66 = arith.constant 0 : i32
      %dma_wait3A_67 = arith.constant 0 : i32
      %dma_wait3A_68 = tpu.memref_slice %arg2[%dma_wait3A_66, %dma_wait3A_67] : memref<100000x128xf32, #tpu.memory_space<hbm>> -> memref<100000x128xf32, #tpu.memory_space<hbm>>
      tpu.wait_indirect_dma semaphore(%arg9 : memref<!tpu.dma_semaphore, #tpu.memory_space<semaphore_mem>>) src(%dma_wait3A_68 : memref<100000x128xf32, #tpu.memory_space<hbm>>) dst(%dma_wait3A_62 : memref<128x128xf32, #tpu.memory_space<vmem>>)
      %dma_wait3A_69 = arith.constant 1 : i32
      %dma_wait3A_70 = arith.constant 128 : i32
      %dma_wait3A_71 = arith.constant 0 : i32
      %dma_wait3A_72 = tpu.memref_slice %arg6[%dma_wait3A_70, %dma_wait3A_71] : memref<256x128xf32, #tpu.memory_space<vmem>> -> memref<128x128xf32, #tpu.memory_space<vmem>>
      %dma_wait3A_73 = arith.constant 0 : i32
      %dma_wait3A_74 = tpu.memref_slice %arg5[%add3A_59, %dma_wait3A_69, %dma_wait3A_73] : memref<124x2x128xi32, #tpu.memory_space<vmem>> -> memref<1x1x128xi32, #tpu.memory_space<vmem>>
      %dma_wait3A_75 = tpu.memref_squeeze %dma_wait3A_74 : memref<1x1x128xi32, #tpu.memory_space<vmem>> -> memref<128xi32, #tpu.memory_space<vmem>>
      %dma_wait3A_76 = arith.constant 0 : i32
      %dma_wait3A_77 = arith.constant 0 : i32
      %dma_wait3A_78 = tpu.memref_slice %arg2[%dma_wait3A_76, %dma_wait3A_77] : memref<100000x128xf32, #tpu.memory_space<hbm>> -> memref<100000x128xf32, #tpu.memory_space<hbm>>
      tpu.wait_indirect_dma semaphore(%arg9 : memref<!tpu.dma_semaphore, #tpu.memory_space<semaphore_mem>>) src(%dma_wait3A_78 : memref<100000x128xf32, #tpu.memory_space<hbm>>) dst(%dma_wait3A_72 : memref<128x128xf32, #tpu.memory_space<vmem>>)
      %lt3A = arith.constant 61 : i32
      %lt3A_79 = arith.cmpi slt, %scan3A_55, %lt3A : i32
      %convert_element_type3A = arith.extui %lt3A_79 : i1 to i32
      %cond3A = arith.constant 0 : i32
      %cond3A_80 = arith.cmpi ne, %convert_element_type3A, %cond3A : i32
      scf.if %cond3A_80 {
        %add3A_115 = arith.constant 2 : i32
        %add3A_116 = arith.addi %add3A_59, %add3A_115 : i32
        %dma_start3A_117 = arith.constant 0 : i32
        %dma_start3A_118 = arith.constant 0 : i32
        %dma_start3A_119 = arith.constant 0 : i32
        %dma_start3A_120 = tpu.memref_slice %arg6[%dma_start3A_118, %dma_start3A_119] : memref<256x128xf32, #tpu.memory_space<vmem>> -> memref<128x128xf32, #tpu.memory_space<vmem>>
        %dma_start3A_121 = arith.constant 0 : i32
        %dma_start3A_122 = tpu.memref_slice %arg5[%add3A_116, %dma_start3A_117, %dma_start3A_121] : memref<124x2x128xi32, #tpu.memory_space<vmem>> -> memref<1x1x128xi32, #tpu.memory_space<vmem>>
        %dma_start3A_123 = tpu.memref_squeeze %dma_start3A_122 : memref<1x1x128xi32, #tpu.memory_space<vmem>> -> memref<128xi32, #tpu.memory_space<vmem>>
        %dma_start3A_124 = arith.constant 0 : i32
        %dma_start3A_125 = arith.constant 0 : i32
        %dma_start3A_126 = tpu.memref_slice %arg2[%dma_start3A_124, %dma_start3A_125] : memref<100000x128xf32, #tpu.memory_space<hbm>> -> memref<100000x128xf32, #tpu.memory_space<hbm>>
        tpu.enqueue_indirect_dma source(%dma_start3A_126 : memref<100000x128xf32, #tpu.memory_space<hbm>>) target(%dma_start3A_120 : memref<128x128xf32, #tpu.memory_space<vmem>>) offsets(%dma_start3A_123 : memref<128xi32, #tpu.memory_space<vmem>>) semaphore(%arg9 : memref<!tpu.dma_semaphore, #tpu.memory_space<semaphore_mem>>)
        %dma_start3A_127 = arith.constant 1 : i32
        %dma_start3A_128 = arith.constant 128 : i32
        %dma_start3A_129 = arith.constant 0 : i32
        %dma_start3A_130 = tpu.memref_slice %arg6[%dma_start3A_128, %dma_start3A_129] : memref<256x128xf32, #tpu.memory_space<vmem>> -> memref<128x128xf32, #tpu.memory_space<vmem>>
        %dma_start3A_131 = arith.constant 0 : i32
        %dma_start3A_132 = tpu.memref_slice %arg5[%add3A_116, %dma_start3A_127, %dma_start3A_131] : memref<124x2x128xi32, #tpu.memory_space<vmem>> -> memref<1x1x128xi32, #tpu.memory_space<vmem>>
        %dma_start3A_133 = tpu.memref_squeeze %dma_start3A_132 : memref<1x1x128xi32, #tpu.memory_space<vmem>> -> memref<128xi32, #tpu.memory_space<vmem>>
        %dma_start3A_134 = arith.constant 0 : i32
        %dma_start3A_135 = arith.constant 0 : i32
        %dma_start3A_136 = tpu.memref_slice %arg2[%dma_start3A_134, %dma_start3A_135] : memref<100000x128xf32, #tpu.memory_space<hbm>> -> memref<100000x128xf32, #tpu.memory_space<hbm>>
        tpu.enqueue_indirect_dma source(%dma_start3A_136 : memref<100000x128xf32, #tpu.memory_space<hbm>>) target(%dma_start3A_130 : memref<128x128xf32, #tpu.memory_space<vmem>>) offsets(%dma_start3A_133 : memref<128xi32, #tpu.memory_space<vmem>>) semaphore(%arg9 : memref<!tpu.dma_semaphore, #tpu.memory_space<semaphore_mem>>)
      } else {
      }
      %parallel_loop3A = arith.constant 0 : i32
      %parallel_loop3A_81 = arith.constant 128 : i32
      %parallel_loop3A_82 = arith.constant 1 : i32
      scf.for %parallel_loop3A_115 = %parallel_loop3A to %parallel_loop3A_81 step %parallel_loop3A_82  : i32 {
        %parallel_loop3A_116 = arith.constant 2 : i32
        %parallel_loop3A_117 = arith.muli %parallel_loop3A_116, %parallel_loop3A_115 : i32
        %parallel_loop3A_118 = arith.index_cast %parallel_loop3A_117 : i32 to index
        %parallel_loop3A_119 = arith.constant 0 : index
        %parallel_loop3A_120 = tpu.vector_load %arg6[%parallel_loop3A_118, %parallel_loop3A_119] {strides = array<i32>} : memref<256x128xf32, #tpu.memory_space<vmem>>, vector<16xf32>,
        %parallel_loop3A_121 = arith.constant 2 : i32
        %parallel_loop3A_122 = arith.muli %parallel_loop3A_121, %parallel_loop3A_115 : i32
        %parallel_loop3A_123 = arith.constant 1 : i32
        %parallel_loop3A_124 = arith.addi %parallel_loop3A_122, %parallel_loop3A_123 : i32
        %parallel_loop3A_125 = arith.index_cast %parallel_loop3A_124 : i32 to index
        %parallel_loop3A_126 = arith.constant 0 : index
        %parallel_loop3A_127 = tpu.vector_load %arg6[%parallel_loop3A_125, %parallel_loop3A_126] {strides = array<i32>} : memref<256x128xf32, #tpu.memory_space<vmem>>, vector<16xf32>,
        %parallel_loop3A_128 = arith.mulf %parallel_loop3A_120, %parallel_loop3A_127 : vector<16xf32>
        %parallel_loop3A_129 = arith.constant 2 : i32
        %parallel_loop3A_130 = arith.muli %parallel_loop3A_129, %parallel_loop3A_115 : i32
        %parallel_loop3A_131 = arith.index_cast %parallel_loop3A_130 : i32 to index
        %parallel_loop3A_132 = arith.constant 16 : index
        %parallel_loop3A_133 = tpu.vector_load %arg6[%parallel_loop3A_131, %parallel_loop3A_132] {strides = array<i32>} : memref<256x128xf32, #tpu.memory_space<vmem>>, vector<16xf32>,
        %parallel_loop3A_134 = arith.constant 2 : i32
        %parallel_loop3A_135 = arith.muli %parallel_loop3A_134, %parallel_loop3A_115 : i32
        %parallel_loop3A_136 = arith.constant 1 : i32
        %parallel_loop3A_137 = arith.addi %parallel_loop3A_135, %parallel_loop3A_136 : i32
        %parallel_loop3A_138 = arith.index_cast %parallel_loop3A_137 : i32 to index
        %parallel_loop3A_139 = arith.constant 16 : index
        %parallel_loop3A_140 = tpu.vector_load %arg6[%parallel_loop3A_138, %parallel_loop3A_139] {strides = array<i32>} : memref<256x128xf32, #tpu.memory_space<vmem>>, vector<16xf32>,
        %parallel_loop3A_141 = arith.mulf %parallel_loop3A_133, %parallel_loop3A_140 : vector<16xf32>
        %parallel_loop3A_142 = arith.constant 2 : i32
        %parallel_loop3A_143 = arith.muli %parallel_loop3A_142, %parallel_loop3A_115 : i32
        %parallel_loop3A_144 = arith.index_cast %parallel_loop3A_143 : i32 to index
        %parallel_loop3A_145 = arith.constant 32 : index
        %parallel_loop3A_146 = tpu.vector_load %arg6[%parallel_loop3A_144, %parallel_loop3A_145] {strides = array<i32>} : memref<256x128xf32, #tpu.memory_space<vmem>>, vector<16xf32>,
        %parallel_loop3A_147 = arith.constant 2 : i32
        %parallel_loop3A_148 = arith.muli %parallel_loop3A_147, %parallel_loop3A_115 : i32
        %parallel_loop3A_149 = arith.constant 1 : i32
        %parallel_loop3A_150 = arith.addi %parallel_loop3A_148, %parallel_loop3A_149 : i32
        %parallel_loop3A_151 = arith.index_cast %parallel_loop3A_150 : i32 to index
        %parallel_loop3A_152 = arith.constant 32 : index
        %parallel_loop3A_153 = tpu.vector_load %arg6[%parallel_loop3A_151, %parallel_loop3A_152] {strides = array<i32>} : memref<256x128xf32, #tpu.memory_space<vmem>>, vector<16xf32>,
        %parallel_loop3A_154 = arith.mulf %parallel_loop3A_146, %parallel_loop3A_153 : vector<16xf32>
        %parallel_loop3A_155 = arith.addf %parallel_loop3A_128, %parallel_loop3A_154 : vector<16xf32>
        %parallel_loop3A_156 = arith.constant 2 : i32
        %parallel_loop3A_157 = arith.muli %parallel_loop3A_156, %parallel_loop3A_115 : i32
        %parallel_loop3A_158 = arith.index_cast %parallel_loop3A_157 : i32 to index
        %parallel_loop3A_159 = arith.constant 48 : index
        %parallel_loop3A_160 = tpu.vector_load %arg6[%parallel_loop3A_158, %parallel_loop3A_159] {strides = array<i32>} : memref<256x128xf32, #tpu.memory_space<vmem>>, vector<16xf32>,
        %parallel_loop3A_161 = arith.constant 2 : i32
        %parallel_loop3A_162 = arith.muli %parallel_loop3A_161, %parallel_loop3A_115 : i32
        %parallel_loop3A_163 = arith.constant 1 : i32
        %parallel_loop3A_164 = arith.addi %parallel_loop3A_162, %parallel_loop3A_163 : i32
        %parallel_loop3A_165 = arith.index_cast %parallel_loop3A_164 : i32 to index
        %parallel_loop3A_166 = arith.constant 48 : index
        %parallel_loop3A_167 = tpu.vector_load %arg6[%parallel_loop3A_165, %parallel_loop3A_166] {strides = array<i32>} : memref<256x128xf32, #tpu.memory_space<vmem>>, vector<16xf32>,
        %parallel_loop3A_168 = arith.mulf %parallel_loop3A_160, %parallel_loop3A_167 : vector<16xf32>
        %parallel_loop3A_169 = arith.addf %parallel_loop3A_141, %parallel_loop3A_168 : vector<16xf32>
        %parallel_loop3A_170 = arith.constant 2 : i32
        %parallel_loop3A_171 = arith.muli %parallel_loop3A_170, %parallel_loop3A_115 : i32
        %parallel_loop3A_172 = arith.index_cast %parallel_loop3A_171 : i32 to index
        %parallel_loop3A_173 = arith.constant 64 : index
        %parallel_loop3A_174 = tpu.vector_load %arg6[%parallel_loop3A_172, %parallel_loop3A_173] {strides = array<i32>} : memref<256x128xf32, #tpu.memory_space<vmem>>, vector<16xf32>,
        %parallel_loop3A_175 = arith.constant 2 : i32
        %parallel_loop3A_176 = arith.muli %parallel_loop3A_175, %parallel_loop3A_115 : i32
        %parallel_loop3A_177 = arith.constant 1 : i32
        %parallel_loop3A_178 = arith.addi %parallel_loop3A_176, %parallel_loop3A_177 : i32
        %parallel_loop3A_179 = arith.index_cast %parallel_loop3A_178 : i32 to index
        %parallel_loop3A_180 = arith.constant 64 : index
        %parallel_loop3A_181 = tpu.vector_load %arg6[%parallel_loop3A_179, %parallel_loop3A_180] {strides = array<i32>} : memref<256x128xf32, #tpu.memory_space<vmem>>, vector<16xf32>,
        %parallel_loop3A_182 = arith.mulf %parallel_loop3A_174, %parallel_loop3A_181 : vector<16xf32>
        %parallel_loop3A_183 = arith.addf %parallel_loop3A_155, %parallel_loop3A_182 : vector<16xf32>
        %parallel_loop3A_184 = arith.constant 2 : i32
        %parallel_loop3A_185 = arith.muli %parallel_loop3A_184, %parallel_loop3A_115 : i32
        %parallel_loop3A_186 = arith.index_cast %parallel_loop3A_185 : i32 to index
        %parallel_loop3A_187 = arith.constant 80 : index
        %parallel_loop3A_188 = tpu.vector_load %arg6[%parallel_loop3A_186, %parallel_loop3A_187] {strides = array<i32>} : memref<256x128xf32, #tpu.memory_space<vmem>>, vector<16xf32>,
        %parallel_loop3A_189 = arith.constant 2 : i32
        %parallel_loop3A_190 = arith.muli %parallel_loop3A_189, %parallel_loop3A_115 : i32
        %parallel_loop3A_191 = arith.constant 1 : i32
        %parallel_loop3A_192 = arith.addi %parallel_loop3A_190, %parallel_loop3A_191 : i32
        %parallel_loop3A_193 = arith.index_cast %parallel_loop3A_192 : i32 to index
        %parallel_loop3A_194 = arith.constant 80 : index
        %parallel_loop3A_195 = tpu.vector_load %arg6[%parallel_loop3A_193, %parallel_loop3A_194] {strides = array<i32>} : memref<256x128xf32, #tpu.memory_space<vmem>>, vector<16xf32>,
        %parallel_loop3A_196 = arith.mulf %parallel_loop3A_188, %parallel_loop3A_195 : vector<16xf32>
        %parallel_loop3A_197 = arith.addf %parallel_loop3A_169, %parallel_loop3A_196 : vector<16xf32>
        %parallel_loop3A_198 = arith.constant 2 : i32
        %parallel_loop3A_199 = arith.muli %parallel_loop3A_198, %parallel_loop3A_115 : i32
        %parallel_loop3A_200 = arith.index_cast %parallel_loop3A_199 : i32 to index
        %parallel_loop3A_201 = arith.constant 96 : index
        %parallel_loop3A_202 = tpu.vector_load %arg6[%parallel_loop3A_200, %parallel_loop3A_201] {strides = array<i32>} : memref<256x128xf32, #tpu.memory_space<vmem>>, vector<16xf32>,
        %parallel_loop3A_203 = arith.constant 2 : i32
        %parallel_loop3A_204 = arith.muli %parallel_loop3A_203, %parallel_loop3A_115 : i32
        %parallel_loop3A_205 = arith.constant 1 : i32
        %parallel_loop3A_206 = arith.addi %parallel_loop3A_204, %parallel_loop3A_205 : i32
        %parallel_loop3A_207 = arith.index_cast %parallel_loop3A_206 : i32 to index
        %parallel_loop3A_208 = arith.constant 96 : index
        %parallel_loop3A_209 = tpu.vector_load %arg6[%parallel_loop3A_207, %parallel_loop3A_208] {strides = array<i32>} : memref<256x128xf32, #tpu.memory_space<vmem>>, vector<16xf32>,
        %parallel_loop3A_210 = arith.mulf %parallel_loop3A_202, %parallel_loop3A_209 : vector<16xf32>
        %parallel_loop3A_211 = arith.addf %parallel_loop3A_183, %parallel_loop3A_210 : vector<16xf32>
        %parallel_loop3A_212 = arith.constant 2 : i32
        %parallel_loop3A_213 = arith.muli %parallel_loop3A_212, %parallel_loop3A_115 : i32
        %parallel_loop3A_214 = arith.index_cast %parallel_loop3A_213 : i32 to index
        %parallel_loop3A_215 = arith.constant 112 : index
        %parallel_loop3A_216 = tpu.vector_load %arg6[%parallel_loop3A_214, %parallel_loop3A_215] {strides = array<i32>} : memref<256x128xf32, #tpu.memory_space<vmem>>, vector<16xf32>,
        %parallel_loop3A_217 = arith.constant 2 : i32
        %parallel_loop3A_218 = arith.muli %parallel_loop3A_217, %parallel_loop3A_115 : i32
        %parallel_loop3A_219 = arith.constant 1 : i32
        %parallel_loop3A_220 = arith.addi %parallel_loop3A_218, %parallel_loop3A_219 : i32
        %parallel_loop3A_221 = arith.index_cast %parallel_loop3A_220 : i32 to index
        %parallel_loop3A_222 = arith.constant 112 : index
        %parallel_loop3A_223 = tpu.vector_load %arg6[%parallel_loop3A_221, %parallel_loop3A_222] {strides = array<i32>} : memref<256x128xf32, #tpu.memory_space<vmem>>, vector<16xf32>,
        %parallel_loop3A_224 = arith.mulf %parallel_loop3A_216, %parallel_loop3A_223 : vector<16xf32>
        %parallel_loop3A_225 = arith.addf %parallel_loop3A_197, %parallel_loop3A_224 : vector<16xf32>
        %parallel_loop3A_226 = arith.addf %parallel_loop3A_211, %parallel_loop3A_225 : vector<16xf32>
        %parallel_loop3A_227 = arith.constant true
        %parallel_loop3A_228 = vector.broadcast %parallel_loop3A_227 : i1 to vector<16xi1>
        %parallel_loop3A_229 = tpu.scan <sum>, %parallel_loop3A_226 masked %parallel_loop3A_228 : vector<16xf32>, vector<16xi1> -> vector<16xf32>
        %parallel_loop3A_230 = arith.constant 128 : i32
        %parallel_loop3A_231 = arith.muli %add3A_59, %parallel_loop3A_230 : i32
        %parallel_loop3A_232 = arith.addi %parallel_loop3A_231, %parallel_loop3A_115 : i32
        %parallel_loop3A_233 = vector.broadcast %parallel_loop3A_232 : i32 to vector<16xi32>
        tpu.vector_store_idx %arg8[%parallel_loop3A_233], %parallel_loop3A_229 masked %eq3A_47 : memref<15872xf32, #tpu.memory_space<vmem>>[vector<16xi32>], vector<16xf32>, vector<16xi1>
      } {sc.loop_unroll_factor = 4 : i64, sc.parallel_access}
      %mul3A_83 = arith.constant 2 : i32
      %mul3A_84 = arith.muli %mul3A_83, %scan3A_55 : i32
      %add3A_85 = arith.constant 1 : i32
      %add3A_86 = arith.addi %mul3A_84, %add3A_85 : i32
      %dma_wait3A_87 = arith.constant 0 : i32
      %dma_wait3A_88 = arith.constant 0 : i32
      %dma_wait3A_89 = arith.constant 0 : i32
      %dma_wait3A_90 = tpu.memref_slice %arg7[%dma_wait3A_88, %dma_wait3A_89] : memref<256x128xf32, #tpu.memory_space<vmem>> -> memref<128x128xf32, #tpu.memory_space<vmem>>
      %dma_wait3A_91 = arith.constant 0 : i32
      %dma_wait3A_92 = tpu.memref_slice %arg5[%add3A_86, %dma_wait3A_87, %dma_wait3A_91] : memref<124x2x128xi32, #tpu.memory_space<vmem>> -> memref<1x1x128xi32, #tpu.memory_space<vmem>>
      %dma_wait3A_93 = tpu.memref_squeeze %dma_wait3A_92 : memref<1x1x128xi32, #tpu.memory_space<vmem>> -> memref<128xi32, #tpu.memory_space<vmem>>
      %dma_wait3A_94 = arith.constant 0 : i32
      %dma_wait3A_95 = arith.constant 0 : i32
      %dma_wait3A_96 = tpu.memref_slice %arg2[%dma_wait3A_94, %dma_wait3A_95] : memref<100000x128xf32, #tpu.memory_space<hbm>> -> memref<100000x128xf32, #tpu.memory_space<hbm>>
      tpu.wait_indirect_dma semaphore(%arg10 : memref<!tpu.dma_semaphore, #tpu.memory_space<semaphore_mem>>) src(%dma_wait3A_96 : memref<100000x128xf32, #tpu.memory_space<hbm>>) dst(%dma_wait3A_90 : memref<128x128xf32, #tpu.memory_space<vmem>>)
      %dma_wait3A_97 = arith.constant 1 : i32
      %dma_wait3A_98 = arith.constant 128 : i32
      %dma_wait3A_99 = arith.constant 0 : i32
      %dma_wait3A_100 = tpu.memref_slice %arg7[%dma_wait3A_98, %dma_wait3A_99] : memref<256x128xf32, #tpu.memory_space<vmem>> -> memref<128x128xf32, #tpu.memory_space<vmem>>
      %dma_wait3A_101 = arith.constant 0 : i32
      %dma_wait3A_102 = tpu.memref_slice %arg5[%add3A_86, %dma_wait3A_97, %dma_wait3A_101] : memref<124x2x128xi32, #tpu.memory_space<vmem>> -> memref<1x1x128xi32, #tpu.memory_space<vmem>>
      %dma_wait3A_103 = tpu.memref_squeeze %dma_wait3A_102 : memref<1x1x128xi32, #tpu.memory_space<vmem>> -> memref<128xi32, #tpu.memory_space<vmem>>
      %dma_wait3A_104 = arith.constant 0 : i32
      %dma_wait3A_105 = arith.constant 0 : i32
      %dma_wait3A_106 = tpu.memref_slice %arg2[%dma_wait3A_104, %dma_wait3A_105] : memref<100000x128xf32, #tpu.memory_space<hbm>> -> memref<100000x128xf32, #tpu.memory_space<hbm>>
      tpu.wait_indirect_dma semaphore(%arg10 : memref<!tpu.dma_semaphore, #tpu.memory_space<semaphore_mem>>) src(%dma_wait3A_106 : memref<100000x128xf32, #tpu.memory_space<hbm>>) dst(%dma_wait3A_100 : memref<128x128xf32, #tpu.memory_space<vmem>>)
      %lt3A_107 = arith.constant 61 : i32
      %lt3A_108 = arith.cmpi slt, %scan3A_55, %lt3A_107 : i32
      %convert_element_type3A_109 = arith.extui %lt3A_108 : i1 to i32
      %cond3A_110 = arith.constant 0 : i32
      %cond3A_111 = arith.cmpi ne, %convert_element_type3A_109, %cond3A_110 : i32
      scf.if %cond3A_111 {
        %add3A_115 = arith.constant 2 : i32
        %add3A_116 = arith.addi %add3A_86, %add3A_115 : i32
        %dma_start3A_117 = arith.constant 0 : i32
        %dma_start3A_118 = arith.constant 0 : i32
        %dma_start3A_119 = arith.constant 0 : i32
        %dma_start3A_120 = tpu.memref_slice %arg7[%dma_start3A_118, %dma_start3A_119] : memref<256x128xf32, #tpu.memory_space<vmem>> -> memref<128x128xf32, #tpu.memory_space<vmem>>
        %dma_start3A_121 = arith.constant 0 : i32
        %dma_start3A_122 = tpu.memref_slice %arg5[%add3A_116, %dma_start3A_117, %dma_start3A_121] : memref<124x2x128xi32, #tpu.memory_space<vmem>> -> memref<1x1x128xi32, #tpu.memory_space<vmem>>
        %dma_start3A_123 = tpu.memref_squeeze %dma_start3A_122 : memref<1x1x128xi32, #tpu.memory_space<vmem>> -> memref<128xi32, #tpu.memory_space<vmem>>
        %dma_start3A_124 = arith.constant 0 : i32
        %dma_start3A_125 = arith.constant 0 : i32
        %dma_start3A_126 = tpu.memref_slice %arg2[%dma_start3A_124, %dma_start3A_125] : memref<100000x128xf32, #tpu.memory_space<hbm>> -> memref<100000x128xf32, #tpu.memory_space<hbm>>
        tpu.enqueue_indirect_dma source(%dma_start3A_126 : memref<100000x128xf32, #tpu.memory_space<hbm>>) target(%dma_start3A_120 : memref<128x128xf32, #tpu.memory_space<vmem>>) offsets(%dma_start3A_123 : memref<128xi32, #tpu.memory_space<vmem>>) semaphore(%arg10 : memref<!tpu.dma_semaphore, #tpu.memory_space<semaphore_mem>>)
        %dma_start3A_127 = arith.constant 1 : i32
        %dma_start3A_128 = arith.constant 128 : i32
        %dma_start3A_129 = arith.constant 0 : i32
        %dma_start3A_130 = tpu.memref_slice %arg7[%dma_start3A_128, %dma_start3A_129] : memref<256x128xf32, #tpu.memory_space<vmem>> -> memref<128x128xf32, #tpu.memory_space<vmem>>
        %dma_start3A_131 = arith.constant 0 : i32
        %dma_start3A_132 = tpu.memref_slice %arg5[%add3A_116, %dma_start3A_127, %dma_start3A_131] : memref<124x2x128xi32, #tpu.memory_space<vmem>> -> memref<1x1x128xi32, #tpu.memory_space<vmem>>
        %dma_start3A_133 = tpu.memref_squeeze %dma_start3A_132 : memref<1x1x128xi32, #tpu.memory_space<vmem>> -> memref<128xi32, #tpu.memory_space<vmem>>
        %dma_start3A_134 = arith.constant 0 : i32
        %dma_start3A_135 = arith.constant 0 : i32
        %dma_start3A_136 = tpu.memref_slice %arg2[%dma_start3A_134, %dma_start3A_135] : memref<100000x128xf32, #tpu.memory_space<hbm>> -> memref<100000x128xf32, #tpu.memory_space<hbm>>
        tpu.enqueue_indirect_dma source(%dma_start3A_136 : memref<100000x128xf32, #tpu.memory_space<hbm>>) target(%dma_start3A_130 : memref<128x128xf32, #tpu.memory_space<vmem>>) offsets(%dma_start3A_133 : memref<128xi32, #tpu.memory_space<vmem>>) semaphore(%arg10 : memref<!tpu.dma_semaphore, #tpu.memory_space<semaphore_mem>>)
      } else {
      }
      %parallel_loop3A_112 = arith.constant 0 : i32
      %parallel_loop3A_113 = arith.constant 128 : i32
      %parallel_loop3A_114 = arith.constant 1 : i32
      scf.for %parallel_loop3A_115 = %parallel_loop3A_112 to %parallel_loop3A_113 step %parallel_loop3A_114  : i32 {
        %parallel_loop3A_116 = arith.constant 2 : i32
        %parallel_loop3A_117 = arith.muli %parallel_loop3A_116, %parallel_loop3A_115 : i32
        %parallel_loop3A_118 = arith.index_cast %parallel_loop3A_117 : i32 to index
        %parallel_loop3A_119 = arith.constant 0 : index
        %parallel_loop3A_120 = tpu.vector_load %arg7[%parallel_loop3A_118, %parallel_loop3A_119] {strides = array<i32>} : memref<256x128xf32, #tpu.memory_space<vmem>>, vector<16xf32>,
        %parallel_loop3A_121 = arith.constant 2 : i32
        %parallel_loop3A_122 = arith.muli %parallel_loop3A_121, %parallel_loop3A_115 : i32
        %parallel_loop3A_123 = arith.constant 1 : i32
        %parallel_loop3A_124 = arith.addi %parallel_loop3A_122, %parallel_loop3A_123 : i32
        %parallel_loop3A_125 = arith.index_cast %parallel_loop3A_124 : i32 to index
        %parallel_loop3A_126 = arith.constant 0 : index
        %parallel_loop3A_127 = tpu.vector_load %arg7[%parallel_loop3A_125, %parallel_loop3A_126] {strides = array<i32>} : memref<256x128xf32, #tpu.memory_space<vmem>>, vector<16xf32>,
        %parallel_loop3A_128 = arith.mulf %parallel_loop3A_120, %parallel_loop3A_127 : vector<16xf32>
        %parallel_loop3A_129 = arith.constant 2 : i32
        %parallel_loop3A_130 = arith.muli %parallel_loop3A_129, %parallel_loop3A_115 : i32
        %parallel_loop3A_131 = arith.index_cast %parallel_loop3A_130 : i32 to index
        %parallel_loop3A_132 = arith.constant 16 : index
        %parallel_loop3A_133 = tpu.vector_load %arg7[%parallel_loop3A_131, %parallel_loop3A_132] {strides = array<i32>} : memref<256x128xf32, #tpu.memory_space<vmem>>, vector<16xf32>,
        %parallel_loop3A_134 = arith.constant 2 : i32
        %parallel_loop3A_135 = arith.muli %parallel_loop3A_134, %parallel_loop3A_115 : i32
        %parallel_loop3A_136 = arith.constant 1 : i32
        %parallel_loop3A_137 = arith.addi %parallel_loop3A_135, %parallel_loop3A_136 : i32
        %parallel_loop3A_138 = arith.index_cast %parallel_loop3A_137 : i32 to index
        %parallel_loop3A_139 = arith.constant 16 : index
        %parallel_loop3A_140 = tpu.vector_load %arg7[%parallel_loop3A_138, %parallel_loop3A_139] {strides = array<i32>} : memref<256x128xf32, #tpu.memory_space<vmem>>, vector<16xf32>,
        %parallel_loop3A_141 = arith.mulf %parallel_loop3A_133, %parallel_loop3A_140 : vector<16xf32>
        %parallel_loop3A_142 = arith.constant 2 : i32
        %parallel_loop3A_143 = arith.muli %parallel_loop3A_142, %parallel_loop3A_115 : i32
        %parallel_loop3A_144 = arith.index_cast %parallel_loop3A_143 : i32 to index
        %parallel_loop3A_145 = arith.constant 32 : index
        %parallel_loop3A_146 = tpu.vector_load %arg7[%parallel_loop3A_144, %parallel_loop3A_145] {strides = array<i32>} : memref<256x128xf32, #tpu.memory_space<vmem>>, vector<16xf32>,
        %parallel_loop3A_147 = arith.constant 2 : i32
        %parallel_loop3A_148 = arith.muli %parallel_loop3A_147, %parallel_loop3A_115 : i32
        %parallel_loop3A_149 = arith.constant 1 : i32
        %parallel_loop3A_150 = arith.addi %parallel_loop3A_148, %parallel_loop3A_149 : i32
        %parallel_loop3A_151 = arith.index_cast %parallel_loop3A_150 : i32 to index
        %parallel_loop3A_152 = arith.constant 32 : index
        %parallel_loop3A_153 = tpu.vector_load %arg7[%parallel_loop3A_151, %parallel_loop3A_152] {strides = array<i32>} : memref<256x128xf32, #tpu.memory_space<vmem>>, vector<16xf32>,
        %parallel_loop3A_154 = arith.mulf %parallel_loop3A_146, %parallel_loop3A_153 : vector<16xf32>
        %parallel_loop3A_155 = arith.addf %parallel_loop3A_128, %parallel_loop3A_154 : vector<16xf32>
        %parallel_loop3A_156 = arith.constant 2 : i32
        %parallel_loop3A_157 = arith.muli %parallel_loop3A_156, %parallel_loop3A_115 : i32
        %parallel_loop3A_158 = arith.index_cast %parallel_loop3A_157 : i32 to index
        %parallel_loop3A_159 = arith.constant 48 : index
        %parallel_loop3A_160 = tpu.vector_load %arg7[%parallel_loop3A_158, %parallel_loop3A_159] {strides = array<i32>} : memref<256x128xf32, #tpu.memory_space<vmem>>, vector<16xf32>,
        %parallel_loop3A_161 = arith.constant 2 : i32
        %parallel_loop3A_162 = arith.muli %parallel_loop3A_161, %parallel_loop3A_115 : i32
        %parallel_loop3A_163 = arith.constant 1 : i32
        %parallel_loop3A_164 = arith.addi %parallel_loop3A_162, %parallel_loop3A_163 : i32
        %parallel_loop3A_165 = arith.index_cast %parallel_loop3A_164 : i32 to index
        %parallel_loop3A_166 = arith.constant 48 : index
        %parallel_loop3A_167 = tpu.vector_load %arg7[%parallel_loop3A_165, %parallel_loop3A_166] {strides = array<i32>} : memref<256x128xf32, #tpu.memory_space<vmem>>, vector<16xf32>,
        %parallel_loop3A_168 = arith.mulf %parallel_loop3A_160, %parallel_loop3A_167 : vector<16xf32>
        %parallel_loop3A_169 = arith.addf %parallel_loop3A_141, %parallel_loop3A_168 : vector<16xf32>
        %parallel_loop3A_170 = arith.constant 2 : i32
        %parallel_loop3A_171 = arith.muli %parallel_loop3A_170, %parallel_loop3A_115 : i32
        %parallel_loop3A_172 = arith.index_cast %parallel_loop3A_171 : i32 to index
        %parallel_loop3A_173 = arith.constant 64 : index
        %parallel_loop3A_174 = tpu.vector_load %arg7[%parallel_loop3A_172, %parallel_loop3A_173] {strides = array<i32>} : memref<256x128xf32, #tpu.memory_space<vmem>>, vector<16xf32>,
        %parallel_loop3A_175 = arith.constant 2 : i32
        %parallel_loop3A_176 = arith.muli %parallel_loop3A_175, %parallel_loop3A_115 : i32
        %parallel_loop3A_177 = arith.constant 1 : i32
        %parallel_loop3A_178 = arith.addi %parallel_loop3A_176, %parallel_loop3A_177 : i32
        %parallel_loop3A_179 = arith.index_cast %parallel_loop3A_178 : i32 to index
        %parallel_loop3A_180 = arith.constant 64 : index
        %parallel_loop3A_181 = tpu.vector_load %arg7[%parallel_loop3A_179, %parallel_loop3A_180] {strides = array<i32>} : memref<256x128xf32, #tpu.memory_space<vmem>>, vector<16xf32>,
        %parallel_loop3A_182 = arith.mulf %parallel_loop3A_174, %parallel_loop3A_181 : vector<16xf32>
        %parallel_loop3A_183 = arith.addf %parallel_loop3A_155, %parallel_loop3A_182 : vector<16xf32>
        %parallel_loop3A_184 = arith.constant 2 : i32
        %parallel_loop3A_185 = arith.muli %parallel_loop3A_184, %parallel_loop3A_115 : i32
        %parallel_loop3A_186 = arith.index_cast %parallel_loop3A_185 : i32 to index
        %parallel_loop3A_187 = arith.constant 80 : index
        %parallel_loop3A_188 = tpu.vector_load %arg7[%parallel_loop3A_186, %parallel_loop3A_187] {strides = array<i32>} : memref<256x128xf32, #tpu.memory_space<vmem>>, vector<16xf32>,
        %parallel_loop3A_189 = arith.constant 2 : i32
        %parallel_loop3A_190 = arith.muli %parallel_loop3A_189, %parallel_loop3A_115 : i32
        %parallel_loop3A_191 = arith.constant 1 : i32
        %parallel_loop3A_192 = arith.addi %parallel_loop3A_190, %parallel_loop3A_191 : i32
        %parallel_loop3A_193 = arith.index_cast %parallel_loop3A_192 : i32 to index
        %parallel_loop3A_194 = arith.constant 80 : index
        %parallel_loop3A_195 = tpu.vector_load %arg7[%parallel_loop3A_193, %parallel_loop3A_194] {strides = array<i32>} : memref<256x128xf32, #tpu.memory_space<vmem>>, vector<16xf32>,
        %parallel_loop3A_196 = arith.mulf %parallel_loop3A_188, %parallel_loop3A_195 : vector<16xf32>
        %parallel_loop3A_197 = arith.addf %parallel_loop3A_169, %parallel_loop3A_196 : vector<16xf32>
        %parallel_loop3A_198 = arith.constant 2 : i32
        %parallel_loop3A_199 = arith.muli %parallel_loop3A_198, %parallel_loop3A_115 : i32
        %parallel_loop3A_200 = arith.index_cast %parallel_loop3A_199 : i32 to index
        %parallel_loop3A_201 = arith.constant 96 : index
        %parallel_loop3A_202 = tpu.vector_load %arg7[%parallel_loop3A_200, %parallel_loop3A_201] {strides = array<i32>} : memref<256x128xf32, #tpu.memory_space<vmem>>, vector<16xf32>,
        %parallel_loop3A_203 = arith.constant 2 : i32
        %parallel_loop3A_204 = arith.muli %parallel_loop3A_203, %parallel_loop3A_115 : i32
        %parallel_loop3A_205 = arith.constant 1 : i32
        %parallel_loop3A_206 = arith.addi %parallel_loop3A_204, %parallel_loop3A_205 : i32
        %parallel_loop3A_207 = arith.index_cast %parallel_loop3A_206 : i32 to index
        %parallel_loop3A_208 = arith.constant 96 : index
        %parallel_loop3A_209 = tpu.vector_load %arg7[%parallel_loop3A_207, %parallel_loop3A_208] {strides = array<i32>} : memref<256x128xf32, #tpu.memory_space<vmem>>, vector<16xf32>,
        %parallel_loop3A_210 = arith.mulf %parallel_loop3A_202, %parallel_loop3A_209 : vector<16xf32>
        %parallel_loop3A_211 = arith.addf %parallel_loop3A_183, %parallel_loop3A_210 : vector<16xf32>
        %parallel_loop3A_212 = arith.constant 2 : i32
        %parallel_loop3A_213 = arith.muli %parallel_loop3A_212, %parallel_loop3A_115 : i32
        %parallel_loop3A_214 = arith.index_cast %parallel_loop3A_213 : i32 to index
        %parallel_loop3A_215 = arith.constant 112 : index
        %parallel_loop3A_216 = tpu.vector_load %arg7[%parallel_loop3A_214, %parallel_loop3A_215] {strides = array<i32>} : memref<256x128xf32, #tpu.memory_space<vmem>>, vector<16xf32>,
        %parallel_loop3A_217 = arith.constant 2 : i32
        %parallel_loop3A_218 = arith.muli %parallel_loop3A_217, %parallel_loop3A_115 : i32
        %parallel_loop3A_219 = arith.constant 1 : i32
        %parallel_loop3A_220 = arith.addi %parallel_loop3A_218, %parallel_loop3A_219 : i32
        %parallel_loop3A_221 = arith.index_cast %parallel_loop3A_220 : i32 to index
        %parallel_loop3A_222 = arith.constant 112 : index
        %parallel_loop3A_223 = tpu.vector_load %arg7[%parallel_loop3A_221, %parallel_loop3A_222] {strides = array<i32>} : memref<256x128xf32, #tpu.memory_space<vmem>>, vector<16xf32>,
        %parallel_loop3A_224 = arith.mulf %parallel_loop3A_216, %parallel_loop3A_223 : vector<16xf32>
        %parallel_loop3A_225 = arith.addf %parallel_loop3A_197, %parallel_loop3A_224 : vector<16xf32>
        %parallel_loop3A_226 = arith.addf %parallel_loop3A_211, %parallel_loop3A_225 : vector<16xf32>
        %parallel_loop3A_227 = arith.constant true
        %parallel_loop3A_228 = vector.broadcast %parallel_loop3A_227 : i1 to vector<16xi1>
        %parallel_loop3A_229 = tpu.scan <sum>, %parallel_loop3A_226 masked %parallel_loop3A_228 : vector<16xf32>, vector<16xi1> -> vector<16xf32>
        %parallel_loop3A_230 = arith.constant 128 : i32
        %parallel_loop3A_231 = arith.muli %add3A_86, %parallel_loop3A_230 : i32
        %parallel_loop3A_232 = arith.addi %parallel_loop3A_231, %parallel_loop3A_115 : i32
        %parallel_loop3A_233 = vector.broadcast %parallel_loop3A_232 : i32 to vector<16xi32>
        tpu.vector_store_idx %arg8[%parallel_loop3A_233], %parallel_loop3A_229 masked %eq3A_47 : memref<15872xf32, #tpu.memory_space<vmem>>[vector<16xi32>], vector<16xf32>, vector<16xi1>
      } {sc.loop_unroll_factor = 4 : i64, sc.parallel_access}
    }
    %scan3A_52 = arith.constant 62 : i32
    %mul3A_53 = arith.constant 15872 : i32
    %mul3A_54 = arith.muli %add3A, %mul3A_53 : i32
    "tpu.region"() ({
      %run_scoped3A = tpu.sem_alloc : memref<!tpu.dma_semaphore, #tpu.memory_space<semaphore_mem>>
      %dma_start3A_55 = tpu.memref_slice %arg4[%mul3A_54] : memref<507904xf32, #tpu.memory_space<hbm>> -> memref<15872xf32, #tpu.memory_space<hbm>>
      %dma_start3A_56 = tpu.memref_slice %arg4[%mul3A_54] : memref<507904xf32, #tpu.memory_space<hbm>> -> memref<15872xf32, #tpu.memory_space<hbm>>
      tpu.enqueue_dma source(%arg8 : memref<15872xf32, #tpu.memory_space<vmem>>) target(%dma_start3A_56 : memref<15872xf32, #tpu.memory_space<hbm>>) target_semaphore(%run_scoped3A : memref<!tpu.dma_semaphore, #tpu.memory_space<semaphore_mem>>)
      %dma_wait3A = tpu.memref_slice %arg4[%mul3A_54] : memref<507904xf32, #tpu.memory_space<hbm>> -> memref<15872xf32, #tpu.memory_space<hbm>>
      %dma_wait3A_57 = tpu.memref_slice %arg4[%mul3A_54] : memref<507904xf32, #tpu.memory_space<hbm>> -> memref<15872xf32, #tpu.memory_space<hbm>>
      tpu.wait_dma2 semaphore(%run_scoped3A : memref<!tpu.dma_semaphore, #tpu.memory_space<semaphore_mem>>) src(%arg8 : memref<15872xf32, #tpu.memory_space<vmem>>) dst(%dma_wait3A_57 : memref<15872xf32, #tpu.memory_space<hbm>>)
      tpu.yield
    }) : () -> ()
    return
  }
}

module attributes {stable_mosaic.version = 14 : i64} {
  func.func @_bce_body(%arg0: memref<3968x128xf32, #tpu.memory_space<vmem>>, %arg1: memref<3968x128xf32, #tpu.memory_space<vmem>>, %arg2: memref<1x1xf32, #tpu.memory_space<vmem>>) attributes {dimension_semantics = [], scalar_prefetch = 0 : i64, scratch_operands = 0 : i64, tpu.core_type = #tpu.core_type<tc>} {
    %get3A = arith.constant 0 : index
    %get3A_0 = arith.constant 0 : index
    %get3A_1 = vector.load %arg0[%get3A, %get3A_0] : memref<3968x128xf32, #tpu.memory_space<vmem>>, vector<3968x128xf32>
    %get3A_2 = arith.constant 0 : index
    %get3A_3 = arith.constant 0 : index
    %get3A_4 = vector.load %arg1[%get3A_2, %get3A_3] : memref<3968x128xf32, #tpu.memory_space<vmem>>, vector<3968x128xf32>
    %iota3A = tpu.iota {dimensions = array<i32: 0>} : vector<3968x128xi32>
    %mul3A = arith.constant 128 : i32
    %mul3A_5 = vector.broadcast %mul3A : i32 to vector<3968x128xi32>
    %mul3A_6 = arith.muli %iota3A, %mul3A_5 : vector<3968x128xi32>
    %iota3A_7 = tpu.iota {dimensions = array<i32: 1>} : vector<3968x128xi32>
    %add3A = arith.addi %mul3A_6, %iota3A_7 : vector<3968x128xi32>
    %max3A = arith.constant 0.000000e+00 : f32
    %max3A_8 = vector.broadcast %max3A : f32 to vector<3968x128xf32>
    %max3A_9 = arith.maximumf %get3A_1, %max3A_8 : vector<3968x128xf32>
    %mul3A_10 = arith.mulf %get3A_1, %get3A_4 : vector<3968x128xf32>
    %sub3A = arith.subf %max3A_9, %mul3A_10 : vector<3968x128xf32>
    %abs3A = math.absf %get3A_1 : vector<3968x128xf32>
    %neg3A = arith.constant 0.000000e+00 : f32
    %neg3A_11 = vector.broadcast %neg3A : f32 to vector<3968x128xf32>
    %neg3A_12 = arith.subf %neg3A_11, %abs3A : vector<3968x128xf32>
    %exp3A = math.exp %neg3A_12 : vector<3968x128xf32>
    %log1p3A = math.log1p %exp3A : vector<3968x128xf32>
    %add3A_13 = arith.addf %sub3A, %log1p3A : vector<3968x128xf32>
    %lt3A = arith.constant 500000 : i32
    %lt3A_14 = vector.broadcast %lt3A : i32 to vector<3968x128xi32>
    %lt3A_15 = arith.cmpi slt, %add3A, %lt3A_14 : vector<3968x128xi32>
    %jit3A = arith.constant 0.000000e+00 : f32
    %broadcast_in_dim3A = vector.broadcast %jit3A : f32 to vector<3968x128xf32>
    %select_n3A = arith.select %lt3A_15, %add3A_13, %broadcast_in_dim3A : vector<3968x128xi1>, vector<3968x128xf32>
    %reduce_sum3A = vector.shape_cast %select_n3A : vector<3968x128xf32> to vector<1x3968x128xf32>
    %reduce_sum3A_16 = arith.constant dense<0.000000e+00> : vector<1xf32>
    %reduce_sum3A_17 = vector.multi_reduction <add>, %reduce_sum3A, %reduce_sum3A_16 [1, 2] : vector<1x3968x128xf32> to vector<1xf32>
    %reduce_sum3A_18 = vector.shape_cast %reduce_sum3A_17 : vector<1xf32> to vector<1x1x1xf32>
    %reduce_sum3A_19 = vector.extract %reduce_sum3A_18[0, 0, 0] : f32 from vector<1x1x1xf32>
    %div3A = arith.constant 5.000000e+05 : f32
    %div3A_20 = arith.divf %reduce_sum3A_19, %div3A : f32
    %reshape3A = vector.broadcast %div3A_20 : f32 to vector<1x1xf32>
    %swap3A = arith.constant 0 : index
    %swap3A_21 = arith.constant 0 : index
    %swap3A_22 = vector.load %arg2[%swap3A, %swap3A_21] : memref<1x1xf32, #tpu.memory_space<vmem>>, vector<1x1xf32>
    tpu.vector_store %arg2[%swap3A, %swap3A_21], %reshape3A {strides = array<i32>} : memref<1x1xf32, #tpu.memory_space<vmem>>, vector<1x1xf32>,
    return
  }
}

</mosaic_0001>

<sc_bundles>
// kernel: kernel.4.cloned.1.call-start
scs
__scs_entry_jumppad:
0x0: {  	(pc) =	sbr.rel $0x88, $3  }
0x1: {  	(tag) =	ssettag $0x0;
	lr =	simm.s32 $0x1  }
0x2: {  	[smem:$0x3F9E] =	sst lr;
	_ =	strace $0xD0000000  }
0x3: {  	_ = 	snop  }
0x4: {  	_ = 	snop  }
0x5: {  	_ = 	snop  }
0x6: {  	_ = 	snop  }
0x7: {  	_ = 	snop  }
__scs_overlays_trampoline_lowered:
0x8: {  	[smem:$0x3FAD] =	sst s0  }
0x9: {  	[smem:$0x3FAE] =	sst s1  }
0xa: {  	[smem:$0x3FAF] =	sst s2  }
0xb: {  	[smem:$0x3FB0] =	sst s3  }
0xc: {  	[smem:$0x3FB1] =	sst s4  }
0xd: {  	[smem:$0x3FB2] =	sst s5  }
0xe: {  	[smem:$0x3FB3] =	sst s6  }
0xf: {  	[smem:$0x3FB4] =	sst s7  }
0x10: {  	[smem:$0x3FB5] =	sst s8  }
0x11: {  	[smem:$0x3FB6] =	sst s9;
	s0 =	simm.s32 @!p0 $0x0  }
0x12: {  	s1 =	sld [smem:$0x3F9C];
	s0 =	simm.s32 @p0 $0x1  }
0x13: {  	[smem:$0x3FB7] =	sst s0;
	s0 =	simm.s32 @!p1 $0x0  }
0x14: {  	s2 =	sld [smem:$0x3F9B];
	s0 =	simm.s32 @p1 $0x1  }
0x15: {  	[smem:$0x3FB8] =	sst s0;
	s0 =	simm.s32 @!p2 $0x0  }
0x16: {  	s3 =	sld [smem:$0x3FDB];
	s0 =	simm.s32 @p2 $0x1  }
0x17: {  	s4 =	simm.s32 $0x1BF5;
	[smem:$0x3FBA] =	sst s0  }
0x18: {  	s0 =	sld [smem:$0x3F9D];
	_ =	swait.ge [sflag:s4], $0x0  }
0x19: {  	s7 =	sld [smem:$0x3F9E]  }
0x1a: {  	s8 =	sadd.s32 $0xFFFFE003, lr  }
0x1b: {  	s9 =	sadd.s32 $0xFFFFFEF7, lr;
	s5 =	simm.s32 $0xFFFFFFFF;
	p2 =	slt.u32 s8, $0xFFFFF086  }
0x1c: {  	p1 =	slt.u32 s9, $0xF7A;
	s5 =	simm.s32 @!p2 $0x0  }
0x1d: {  	s5 =	simm.s32 @p1 $0x1;
	p0 =	seq.s32 s7, s2  }
0x1e: {  	s7 =	smul.u32 @!p0 $0xF7A, s2;
	p2 =	seq.s32 @!p0 s5, $0x0  }
0x1f: {  	s9 =	smul.u32 $0xF7A, s1;
	s8 =	simm.s32 @!p0 $0x1BF5;
	p2 =	por !p2, p0  }
0x20: {  	[sflag:s8] =	ssyncset.s32 @!p0 $0xFFFFF086;
	s6 =	sadd.s32 @!p0 s3, s7;
	s7 =	simm.s32 @!p0 $0x108  }
0x21: {  	s3 =	sadd.s32 s3, s9;
	s6 =	sadd.s32 @!p0 $0x88, s6;
	s7 =	simm.s32 @p2 $0x1082  }
0x22: {  	[simem:s7], [sflag:s8] =	dma.local @!p0 [hbm:s6], $0xF7A  }
0x23: {  	s9 =	sor.u32 $0xD0000000, s2;
	s6 =	simm.s32 $0x108;
	_ =	swait.ge @!p0 [sflag:s8], $0x0  }
0x24: {  	s3 =	sadd.s32 $0x88, s3;
	s6 =	simm.s32 @!p1 $0x1082;
	[sflag:s4] =	ssyncset.s32 $0xFFFFF086  }
0x25: {  	[simem:s6], [sflag:s4] =	dma.local [hbm:s3], $0xF7A  }
0x26: {  	[smem:$0x3F9E] =	sst s1;
	(tag) =	ssettag s2;
	_ =	strace s9  }
0x27: {  	s1 =	sld [smem:$0x3FAE]  }
0x28: {  	s2 =	sld [smem:$0x3FAF]  }
0x29: {  	s4 =	sld [smem:$0x3FB1]  }
0x2a: {  	p0 =	seq.s32 s5, $0x0;
	s5 =	sld [smem:$0x3FB2]  }
0x2b: {  	s6 =	sld [smem:$0x3FB3]  }
0x2c: {  	s7 =	sld [smem:$0x3FB4]  }
0x2d: {  	s3 =	simm.s32 $0x108;
	s8 =	sld [smem:$0x3FB5]  }
0x2e: {  	s3 =	simm.s32 @!p0 $0x1082;
	s9 =	sld [smem:$0x3FB6]  }
0x2f: {  	lr =	sadd.s32 s0, s3;
	s0 =	sld [smem:$0x3FAD]  }
0x30: {  	s3 =	sld [smem:$0x3FB0]  }
0x31: {  	[smem:$0x3FB9] =	sst s10  }
0x32: {  	s10 =	sld [smem:$0x3FB7];
	_ =	sdelay $0x3  }
0x33: {  	p0 =	seq.s32 s10, $0x1;
	s10 =	sld [smem:$0x3FB9];
	_ =	sdelay $0x3  }
0x34: {  	[smem:$0x3FB9] =	sst s10  }
0x35: {  	s10 =	sld [smem:$0x3FB8];
	_ =	sdelay $0x3  }
0x36: {  	p1 =	seq.s32 s10, $0x1;
	s10 =	sld [smem:$0x3FB9];
	_ =	sdelay $0x3  }
0x37: {  	[smem:$0x3FB9] =	sst s10  }
0x38: {  	s10 =	sld [smem:$0x3FBA]  }
0x39: {  	_ = 	snop;
	(pc) =	sbr.ind lr, $3  }
0x3a: {  	_ = 	snop  }
0x3b: {  	_ = 	snop  }
0x3c: {  	p2 =	seq.s32 s10, $0x1;
	s10 =	sld [smem:$0x3FB9]  }
0x3d: {  	_ =	shalt  }
0x3e: {  	_ =	shalt  }
0x3f: {  	_ =	shalt  }
0x40: {  	_ =	shalt  }
0x41: {  	_ =	shalt  }
0x42: {  	_ =	shalt  }
0x43: {  	_ =	shalt  }
0x44: {  	_ =	shalt  }
0x45: {  	_ =	shalt  }
0x46: {  	_ =	shalt  }
0x47: {  	_ =	shalt  }
0x48: {  	_ =	shalt  }
0x49: {  	_ =	shalt  }
0x4a: {  	_ =	shalt  }
0x4b: {  	_ =	shalt  }
0x4c: {  	_ =	shalt  }
0x4d: {  	_ =	shalt  }
0x4e: {  	_ =	shalt  }
0x4f: {  	_ =	shalt  }
0x50: {  	_ =	shalt  }
0x51: {  	_ =	shalt  }
0x52: {  	_ =	shalt  }
0x53: {  	_ =	shalt  }
0x54: {  	_ =	shalt  }
0x55: {  	_ =	shalt  }
0x56: {  	_ =	shalt  }
0x57: {  	_ =	shalt  }
0x58: {  	_ =	shalt  }
0x59: {  	_ =	shalt  }
0x5a: {  	_ =	shalt  }
0x5b: {  	_ =	shalt  }
0x5c: {  	_ =	shalt  }
0x5d: {  	_ =	shalt  }
0x5e: {  	_ =	shalt  }
0x5f: {  	_ =	shalt  }
0x60: {  	_ =	shalt  }
0x61: {  	_ =	shalt  }
0x62: {  	_ =	shalt  }
0x63: {  	_ =	shalt  }
0x64: {  	_ =	shalt  }
0x65: {  	_ =	shalt  }
0x66: {  	_ =	shalt  }
0x67: {  	_ =	shalt  }
0x68: {  	_ =	shalt  }
0x69: {  	_ =	shalt  }
0x6a: {  	_ =	shalt  }
0x6b: {  	_ =	shalt  }
0x6c: {  	_ =	shalt  }
0x6d: {  	_ =	shalt  }
0x6e: {  	_ =	shalt  }
0x6f: {  	_ =	shalt  }
0x70: {  	_ =	shalt  }
0x71: {  	_ =	shalt  }
0x72: {  	_ =	shalt  }
0x73: {  	_ =	shalt  }
0x74: {  	_ =	shalt  }
0x75: {  	_ =	shalt  }
0x76: {  	_ =	shalt  }
0x77: {  	_ =	shalt  }
0x78: {  	_ =	shalt  }
0x79: {  	_ =	shalt  }
0x7a: {  	_ =	shalt  }
0x7b: {  	_ =	shalt  }
0x7c: {  	_ =	shalt  }
0x7d: {  	_ =	shalt  }
0x7e: {  	_ =	shalt  }
0x7f: {  	_ =	shalt  }
0x80: {  	_ =	shalt  }
0x81: {  	_ =	shalt  }
0x82: {  	_ =	shalt  }
0x83: {  	_ =	shalt  }
0x84: {  	_ =	shalt  }
0x85: {  	_ =	shalt  }
0x86: {  	_ =	shalt  }
0x87: {  	_ =	shalt  }
.Lfunc_end0:
.L_simem_size_0:
called_computation_lowered:
.L_overlay_start_0:
0x88: {  	s2 =	sld [smem:$0x3FD9]  }
0x89: {  	s3 =	sld [smem:$0x3FFE];
	_ =	sdelay $0x1  }
0x8a: {  	s1 =	srdreg.scid  }
0x8b: {  	s0 =	sand.u32 $0x1, s1  }
0x8c: {  	s17 =	sshll.u32 s0, $0xA;
	s2 =	sadd.s32 s3, s2  }
0x8d: {  	s2 =	sadd.s32 s2, s17  }
0x8e: {  	[smem:$0x3FC5] =	sst s2  }
0x8f: {  	_ = 	snop  }
0x90: {  	s2 =	sld [smem:$0x3FC9];
	(tm) =	ssettm $0x1  }
0x91: {  	s18 =	sld [smem:$0x3FFB];
	_ =	sdelay $0x3  }
0x92: {  	_ =	strace s18  }
0x93: {  	s3 =	sld [smem:$0x3FFC];
	_ =	sdelay $0x3  }
0x94: {  	_ =	strace s3  }
0x95: {  	s3 =	sld [smem:$0x3FFD];
	_ =	sdelay $0x3  }
0x96: {  	_ =	strace s3  }
0x97: {  	_ =	strace $0x8FFFFFFF  }
0x98: {  	s19 =	sld [smem:$0x3FDB];
	_ =	sdelay $0x1  }
0x99: {  	s4 =	simm.s32 $_scs_section_size  }
0x9a: {  	s5 =	simm.s32 $_size__tile_overlayer_lowered;
	s6 =	simm.s32 $_tile_overlayer_lowered  }
0x9b: {  	s22 =	simm.s32 $0x1BFF;
	s21 =	sshll.u32 s6, $0x1;
	s3 =	sadd.s32 s4, s19  }
0x9c: {  	s7 =	simm.s32 $0x0;
	s20 =	sshll.u32 s5, $0x1;
	s5 =	sadd.s32 s21, s3  }
0x9d: {  	[timem:s7], [sflag:s22] =	dma.local [hbm:s5], s20  }
0x9e: {  	_ =	swait.ge [sflag:s22], s20  }
0x9f: {  	s4 =	ssub.s32 $0x0, s20;
	[sflag:s22] =	ssyncset.done $0x0  }
0xa0: {  	[sflag:s22] =	ssyncadd.s32 s4;
	_ =	sdelay $0x1  }
0xa1: {  	s23 =	simm.s32 $0x1B8B  }
0xa2: {  	_ =	swait.ge [sflag:s23], $0x1  }
0xa3: {  	[sflag:s23] =	ssyncset.done $0x0  }
0xa4: {  	s25 =	simm.s32 $0x1B8E;
	s24 =	sld [smem:$0x3FFE];
	[sflag:s23] =	ssyncadd.s32 $0xFFFFFFFF  }
0xa5: {  	s26 =	simm.s32 $execute0_lowered;
	[smem:$0x3FD2] =	sst s25  }
0xa6: {  	s5 =	sshll.u32 s26, $0x1;
	_ =	strace $0x80000046;
	[dreg:$0x1] =	wrdreg $0xFFFFFFFF  }
0xa7: {  	s28 =	simm.s32 $_size_execute0_lowered;
	s3 =	sadd.s32 s3, s5;
	[dreg:$0x0] =	wrdreg $0x0  }
0xa8: {  	s5 =	sshll.u32 s28, $0x1;
	[dreg:$0x2] =	wrdreg s3  }
0xa9: {  	[dreg:$0x3] =	wrdreg s5  }
0xaa: {  	[dreg:$0x4] =	wrdreg $0xC0  }
0xab: {  	_ =	task [dreg:s7], $0x5FFFF  }
0xac: {  	[dreg:$0x1] =	wrdreg $0xFFFFFFFF  }
0xad: {  	[dreg:$0x0] =	wrdreg $0x60  }
0xae: {  	[dreg:$0x2] =	wrdreg s2  }
0xaf: {  	[dreg:$0x3] =	wrdreg s24  }
0xb0: {  	[dreg:$0x4] =	wrdreg $0x9  }
0xb1: {  	_ =	task.clear_ibuf [dreg:s7], $0x5FFFF;
	_ =	strace $0x90000046  }
0xb2: {  	s29 =	simm.s32 $0x9;
	_ =	strace $0x80000048  }
0xb3: {  	_ =	swait.ge [sflag:s29], $0x1  }
0xb4: {  	[sflag:s29] =	ssyncadd.s32 $0xFFFFFFFF  }
0xb5: {  	_ =	strace $0x90000048  }
0xb6: {  	_ =	sfence  }
0xb7: {  	s30 =	sld [smem:$0x0];
	_ =	sdelay $0x2  }
0xb8: {  	s31 =	sshll.u32 s1, $0xD;
	s1 =	sshrl.u32 s1, $0x2  }
0xb9: {  	s3 =	sand.u32 $0x4000, s31;
	s1 =	sadd.s32 s1, s30  }
0xba: {  	s0 =	sor.u32 s3, s0;
	s1 =	sshll.u32 s1, $0x11  }
0xbb: {  	s0 =	sor.u32 s1, s0  }
0xbc: {  	s0 =	sadd.s32 $0x8F2B, s0  }
0xbd: {  	[sflag:s0] =	ssyncadd.remote.s32 $0x1  }
0xbe: {  	_ =	sfence.sel $0xFFFF  }
0xbf: {  	[dreg:$0x0] =	wrdreg $0xFFFFFFFF;
	(pc) =	sbr.abs _section_cstart, $3  }
0xc0: {  	[dreg:$0x1] =	wrdreg $0xFFFFFFFF  }
0xc1: {  	_ =	task.clear_ibuf [dreg:s7], $0x2FFFF;
	_ =	strace $0x9FFFFFFF  }
0xc2: {  	(tm) =	ssettm $0x7FFFFFFF  }
0xc3: {  	_ =	shalt  }
tec
execute0_lowered:
.L_overlay_start_1:
0x0: {  	(tag) =	ssettag $0x1  }
0x1: {  	s1 =	srdreg.scid  }
0x2: {  	s0 =	stileid.u32;
	s2 =	rddreg [dreg:$0x0]  }
0x3: {  	s5 =	rddreg [dreg:$0x1];
	s3 =	simm.s32 $0x0;
	s9 =	simm.s32 $0x7C00  }
0x4: {  	s10 =	simm.s32 $0xBC00;
	s11 =	simm.s32 $0x100;
	s12 =	simm.s32 $0xFC00  }
0x5: {  	s13 =	simm.s32 $0x180;
	s14 =	simm.s32 $0x13C00;
	s15 =	simm.s32 $0x1  }
0x6: {  	s16 =	simm.s32 $0x17C00;
	s4 =	sand.u32 $0x1, s1;
	s30 =	sshll.u32 s0, $0x1  }
0x7: {  	s17 =	simm.s32 $0x2;
	s18 =	simm.s32 $0x0;
	s6 =	sor.u32 s4, s30  }
0x8: {  	s1 =	rddreg [dreg:$0x2];
	s4 =	ssub.s32 $0x2, s4;
	s7 =	smul.u32 $0xF80, s6  }
0x9: {  	[smem:$0x7FF] =	sst s3;
	s6 =	smul.u32 $0x7C0, s6;
	s8 =	sshrl.u32 s4, $0x1  }
0xa: {  	_ =	strace $0x80000047;
	s31 =	ssub.s32 s4, s8;
	s8 =	simm.s32 $0x80  }
0xb: {  	s7 =	sadd.s32 s7, s5;
	s5 =	sadd.s32 s6, s5;
	s6 =	smax.u32 s31, $0x1  }
0xc: {  	vm0 =	vcmask $0x3F3C;
	s4 =	sadd.s32 $0x800, s7;
	s5 =	sadd.s32 $0x1F800, s5;
	s7 =	simm.s32 $0x3  }
.LBB2_1:
0xd: {  	[tilespmem:s3], [sflag:$0x3] =	stream.linear.gather [hbm4b:s4+s3], $0x7C00, $0x38;
	[tilespmem:$0x1BA00] =	vst v63  }
0xe: {  	_ =	swait.ge [sflag:s7], $0x7C00  }
0xf: {  	[sflag:s7] =	ssyncset.done $0x0  }
0x10: {  	[sflag:s7] =	ssyncadd.s32 $0xFFFF8400  }
0x11: {  	[tilespmem:s9], [sflag:$0x1] =	stream.indirect.gather [hbm4b:s2+s8], $0x80, s3, s8, $0xb8;
	[tilespmem:$0x1BA00] =	vst v63  }
0x12: {  	_ = 	snop  }
0x13: {  	[tilespmem:s10], [sflag:$0x1] =	stream.indirect.gather [hbm4b:s2+s8], $0x80, s8, s8, $0xb8;
	[tilespmem:$0x1BA00] =	vst v63  }
0x14: {  	_ = 	snop  }
0x15: {  	[tilespmem:s12], [sflag:$0x2] =	stream.indirect.gather [hbm4b:s2+s8], $0x80, s11, s8, $0xb8;
	[tilespmem:$0x1BA00] =	vst v63  }
0x16: {  	s19 =	simm.s32 $0x0;
	s20 =	simm.s32 $0x0  }
0x17: {  	[tilespmem:s14], [sflag:$0x2] =	stream.indirect.gather [hbm4b:s2+s8], $0x80, s13, s8, $0xb8;
	[tilespmem:$0x1BA00] =	vst v63  }
.LBB2_2:
0x18: {  	_ =	swait.ge [sflag:s15], $0x4000  }
0x19: {  	[sflag:s15] =	ssyncset.done $0x0  }
0x1a: {  	p0 =	seq.s32 s20, $0x3D;
	[sflag:s15] =	ssyncadd.s32 $0xFFFFC000  }
0x1b: {  	s21 =	sshll.u32 @!p0 s20, $0x9;
	_ =	swait.ge [sflag:s15], $0x4000  }
0x1c: {  	s23 =	simm.s32 @!p0 $0x80;
	s21 =	sand.u32 @!p0 $0x3FFFFE00, s21;
	[sflag:s15] =	ssyncset.done $0x0  }
0x1d: {  	s24 =	simm.s32 @!p0 $0x7C00;
	s22 =	sadd.s32 @!p0 $0x200, s21;
	[sflag:s15] =	ssyncadd.s32 $0xFFFFC000  }
0x1e: {  	[tilespmem:s24], [sflag:$0x1] =	stream.indirect.gather @!p0 [hbm4b:s2+s23], $0x80, s22, s23, $0xb8;
	[tilespmem:$0x1BA00] =	vst v63  }
0x1f: {  	s28 =	simm.s32 $0x7E00;
	s22 =	sadd.s32 @!p0 $0x280, s21;
	s24 =	simm.s32 @!p0 $0xBC00  }
0x20: {  	[tilespmem:s24], [sflag:$0x1] =	stream.indirect.gather @!p0 [hbm4b:s2+s23], $0x80, s22, s23, $0xb8;
	[tilespmem:$0x1BA00] =	vst v63  }
0x21: {  	v0 =	vld [tilespmem:s28+$0x160]  }
0x22: {  	v1 =	vld [tilespmem:s28+$0x1E0]  }
0x23: {  	v2 =	vld [tilespmem:s28+$0x140]  }
0x24: {  	v3 =	vld [tilespmem:s28+$0x1C0]  }
0x25: {  	v4 =	vld [tilespmem:s28+$0x100]  }
0x26: {  	v5 =	vld [tilespmem:s28+$0x180]  }
0x27: {  	v6 =	vld [tilespmem:s28+$0x110]  }
0x28: {  	v7 =	vld [tilespmem:s28+$0x190]  }
0x29: {  	v8 =	vld [tilespmem:s28+$0x120]  }
0x2a: {  	v9 =	vld [tilespmem:s28+$0x1A0]  }
0x2b: {  	v10 =	vld [tilespmem:s28+$0x130]  }
0x2c: {  	v11 =	vld [tilespmem:s28+$0x1B0]  }
0x2d: {  	v12 =	vld [tilespmem:s28+$0x150]  }
0x2e: {  	v13 =	vld [tilespmem:s28+$0x1D0]  }
0x2f: {  	v14 =	vld [tilespmem:s28+$0x170]  }
0x30: {  	v15 =	vld [tilespmem:s28+$0x1F0]  }
0x31: {  	v16 =	vld [tilespmem:s28+$0xFFFFFE80]  }
0x32: {  	v17 =	vld [tilespmem:s28+$0xFFFFFE10]  }
0x33: {  	v18 =	vld [tilespmem:s28+$0xFFFFFE90]  }
0x34: {  	v19 =	vld [tilespmem:s28+$0xFFFFFE20]  }
0x35: {  	v20 =	vld [tilespmem:s28+$0xFFFFFEA0]  }
0x36: {  	v21 =	vld [tilespmem:s28+$0xFFFFFE30]  }
0x37: {  	v22 =	vld [tilespmem:s28+$0xFFFFFEB0]  }
0x38: {  	v23 =	vld [tilespmem:s28+$0xFFFFFF00]  }
0x39: {  	v24 =	vld [tilespmem:s28+$0xFFFFFF80]  }
0x3a: {  	v25 =	vld [tilespmem:s28+$0xFFFFFF10]  }
0x3b: {  	v26 =	vld [tilespmem:s28+$0xFFFFFF90]  }
0x3c: {  	v27 =	vld [tilespmem:s28+$0xFFFFFF20]  }
0x3d: {  	v28 =	vld [tilespmem:s28+$0xFFFFFFA0]  }
0x3e: {  	v29 =	vld [tilespmem:s28+$0xFFFFFF30]  }
0x3f: {  	v30 =	vld [tilespmem:s28+$0xFFFFFFB0]  }
0x40: {  	v31 =	vld [tilespmem:s28+$0x0]  }
0x41: {  	v32 =	vld [tilespmem:s28+$0x80]  }
0x42: {  	v33 =	vld [tilespmem:s28+$0x10]  }
0x43: {  	v34 =	vld [tilespmem:s28+$0x90]  }
0x44: {  	v35 =	vld [tilespmem:s28+$0x20]  }
0x45: {  	v36 =	vld [tilespmem:s28+$0xA0]  }
0x46: {  	v37 =	vld [tilespmem:s28+$0x30]  }
0x47: {  	v38 =	vld [tilespmem:s28+$0xB0]  }
0x48: {  	v39 =	vld [tilespmem:s28+$0xFFFFFE00]  }
0x49: {  	v55 =	vld [tilespmem:s28+$0x50];
	v4 =	vmul.f32 v5, v4;
	v5 =	vmul.f32 v7, v6  }
0x4a: {  	v57 =	vld [tilespmem:s28+$0xFFFFFE60];
	v7 =	vmul.f32 v9, v8;
	v8 =	vmul.f32 v11, v10  }
0x4b: {  	v59 =	vld [tilespmem:s28+$0xFFFFFE70];
	v2 =	vmul.f32 v3, v2  }
0x4c: {  	v6 =	vld [tilespmem:s28+$0xFFFFFE40];
	v4 =	vadd.f32 v7, v4;
	v5 =	vadd.f32 v8, v5;
	v7 =	vmul.f32 v13, v12  }
0x4d: {  	v9 =	vld [tilespmem:s28+$0xFFFFFEC0];
	v0 =	vmul.f32 v1, v0  }
0x4e: {  	v3 =	vld [tilespmem:s28+$0xFFFFFE50];
	v2 =	vadd.f32 v2, v4;
	v4 =	vadd.f32 v7, v5;
	v5 =	vmul.f32 v15, v14  }
0x4f: {  	v1 =	vld [tilespmem:s28+$0xFFFFFF40];
	v11 =	vmul.f32 v20, v19  }
0x50: {  	v10 =	vld [tilespmem:s28+$0xFFFFFF50];
	v54 =	vmul.f32 v30, v29;
	v0 =	vadd.f32 v0, v2;
	v2 =	vadd.f32 v5, v4  }
0x51: {  	v56 =	vmul.f32 v36, v35;
	v58 =	vmul.f32 v38, v37;
	v8 =	vld [tilespmem:s28+$0xFFFFFED0]  }
0x52: {  	v12 =	vmul.f32 v22, v21;
	v13 =	vld [tilespmem:s28+$0x40];
	v4 =	vmul.f32 v18, v17;
	v0 =	vadd.f32 v2, v0  }
0x53: {  	v7 =	vld [tilespmem:s28+$0xFFFFFFC0];
	v14 =	vmul.f32 v26, v25;
	v17 =	vmul.f32 v28, v27  }
0x54: {  	v5 =	vld [tilespmem:s28+$0xFFFFFFD0];
	v2 =	vmul.f32 v24, v23;
	(xrf2) =	vadd.scan.msk.f32 $0xffff, v0;
	v0 =	vadd.f32 v12, v4;
	v12 =	vmul.f32 v16, v39  }
0x55: {  	v15 =	vld [tilespmem:s28+$0xC0];
	v6 =	vmul.f32 v9, v6;
	v4 =	vmul.f32 v32, v31  }
0x56: {  	s29 =	sadd.s32 $0xFFFFFFFC, s19;
	v16 =	vld [tilespmem:s28+$0xD0];
	v2 =	vadd.f32 v17, v2;
	v17 =	vmul.f32 v34, v33;
	v11 =	vadd.f32 v11, v12  }
0x57: {  	s31 =	sadd.s32 $0x5, s29;
	v9 =	vadd.f32 v54, v14;
	v3 =	vmul.f32 v8, v3;
	v12 =	vld [tilespmem:s28+$0xFFFFFEE0];
	v14 =	vadd.f32 v56, v4  }
0x58: {  	v8 =	vmov s31;
	v17 =	vadd.f32 v58, v17;
	v60 =	vadd.f32 v6, v11;
	v6 =	vld [tilespmem:s28+$0xFFFFFEF0]  }
0x59: {  	s30 =	sadd.s32 $0x4, s29;
	s25 =	sadd.s32 $0x7, s29;
	v62 =	vld [tilespmem:s28+$0xFFFFFF60];
	v61 =	vadd.f32 v3, v0;
	v0 =	vmul.f32 v7, v1;
	v1 =	vmul.f32 v5, v10  }
0x5a: {  	v63 =	vld [tilespmem:s28+$0xFFFFFFE0];
	v4 =	vmov s30;
	v3 =	vmul.f32 v15, v13;
	v11 =	vmov s25  }
0x5b: {  	s22 =	sadd.s32 $0x6, s29;
	v7 =	vld [tilespmem:s28+$0xFFFFFF70];
	v10 =	vand.u32 $0xFFFFFFFC, v4;
	v4 =	vadd.f32 v0, v2;
	v5 =	vadd.f32 v1, v9  }
0x5c: {  	v0 =	vmov s22;
	v9 =	vld [tilespmem:s28+$0xFFFFFFF0];
	v13 =	vmul.f32 v16, v55;
	v12 =	vmul.f32 v12, v57  }
0x5d: {  	v3 =	vadd.f32 v3, v14;
	v2 =	vand.u32 $0xFFFFFFFD, v8;
	v8 =	vld [tilespmem:s28+$0x60];
	v15 =	vmul.f32 v6, v59  }
0x5e: {  	v1 =	vbroadcast v10, $0x0;
	v10 =	vld [tilespmem:s28+$0xE0];
	v6 =	vadd.f32 v13, v17;
	v13 =	vadd.f32 v12, v60;
	v14, _, _ =	vpop (xrf2)  }
0x5f: {  	v0 =	vand.u32 $0xFFFFFFFE, v0;
	v12 =	vld [tilespmem:s28+$0xF0];
	[tilespmem:v11+s16+$0x0] =	vst.idx.msk vm0, v14;
	v15 =	vadd.f32 v15, v61;
	v14 =	vmul.f32 v63, v62  }
0x60: {  	s23 =	simm.s32 $0x8200;
	s22 =	simm.s32 $0x0;
	v2 =	vbroadcast v2, $0x0;
	v0 =	vbroadcast v0, $0x0;
	v11 =	vld [tilespmem:s28+$0x70]  }
.LBB2_3:
0x61: {  	v16 =	vld [tilespmem:s23+$0x160];
	v13 =	vadd.f32 v15, v13;
	v4 =	vadd.f32 v14, v4;
	v7 =	vmul.f32 v9, v7;
	s24 =	smov.u32 s22  }
0x62: {  	v9 =	vld [tilespmem:s23+$0x1E0]  }
0x63: {  	v14 =	vld [tilespmem:s23+$0x140];
	v5 =	vadd.f32 v7, v5;
	v7 =	vmul.f32 v10, v8;
	(xrf2) =	vadd.scan.msk.f32 $0xffff, v13  }
0x64: {  	v8 =	vld [tilespmem:s23+$0x1C0]  }
0x65: {  	v10 =	vld [tilespmem:s23+$0x100];
	v4 =	vadd.f32 v5, v4;
	v3 =	vadd.f32 v7, v3;
	v5 =	vmul.f32 v12, v11  }
0x66: {  	v7 =	vld [tilespmem:s23+$0x180]  }
0x67: {  	v11 =	vld [tilespmem:s23+$0x110];
	v5 =	vadd.f32 v5, v6;
	(xrf2) =	vadd.scan.msk.f32 $0xffff, v4  }
0x68: {  	v4 =	vld [tilespmem:s23+$0x190]  }
0x69: {  	v6 =	vld [tilespmem:s23+$0x120];
	v3 =	vadd.f32 v5, v3  }
0x6a: {  	v5 =	vld [tilespmem:s23+$0x1A0]  }
0x6b: {  	v12 =	vld [tilespmem:s23+$0x130];
	(xrf2) =	vadd.scan.msk.f32 $0xffff, v3  }
0x6c: {  	s22 =	sadd.s32 $0x4, s22;
	v3 =	vld [tilespmem:s23+$0x1B0]  }
0x6d: {  	p1 =	slt.u32 s22, $0x7C;
	v13 =	vld [tilespmem:s23+$0x150];
	v15, _, _ =	vpop (xrf2)  }
0x6e: {  	v17 =	vld [tilespmem:s23+$0x1D0];
	[tilespmem:v1+s16+$0x0] =	vst.idx.msk vm0, v15  }
0x6f: {  	v1 =	vld [tilespmem:s23+$0x170]  }
0x70: {  	v7 =	vmul.f32 v7, v10;
	v4 =	vmul.f32 v4, v11;
	v10 =	vld [tilespmem:s23+$0x1F0]  }
0x71: {  	v5 =	vmul.f32 v5, v6;
	v11 =	vld [tilespmem:s23+$0xFFFFFE80];
	v3 =	vmul.f32 v3, v12;
	v6, _, _ =	vpop (xrf2)  }
0x72: {  	v8 =	vmul.f32 v8, v14;
	v12 =	vld [tilespmem:s23+$0xFFFFFE10];
	[tilespmem:v2+s16+$0x0] =	vst.idx.msk vm0, v6  }
0x73: {  	v5 =	vadd.f32 v5, v7;
	v2 =	vld [tilespmem:s23+$0xFFFFFE90];
	v3 =	vadd.f32 v3, v4;
	v13 =	vmul.f32 v17, v13  }
0x74: {  	v7 =	vmul.f32 v9, v16;
	v6 =	vld [tilespmem:s23+$0xFFFFFE20]  }
0x75: {  	v5 =	vadd.f32 v8, v5;
	v9 =	vld [tilespmem:s23+$0xFFFFFEA0];
	v3 =	vadd.f32 v13, v3;
	v1 =	vmul.f32 v10, v1;
	v4, _, _ =	vpop (xrf2)  }
0x76: {  	v8 =	vld [tilespmem:s23+$0xFFFFFE30];
	[tilespmem:v0+s16+$0x0] =	vst.idx.msk vm0, v4  }
0x77: {  	v4 =	vadd.f32 v7, v5;
	v0 =	vld [tilespmem:s23+$0xFFFFFEB0];
	v1 =	vadd.f32 v1, v3  }
0x78: {  	v2 =	vmul.f32 v2, v12;
	v3 =	vld [tilespmem:s23+$0xFFFFFF00]  }
0x79: {  	v5 =	vld [tilespmem:s23+$0xFFFFFF80];
	v1 =	vadd.f32 v1, v4  }
0x7a: {  	v4 =	vmul.f32 v9, v6;
	v6 =	vld [tilespmem:s23+$0xFFFFFF10]  }
0x7b: {  	v7 =	vld [tilespmem:s23+$0xFFFFFF90];
	(xrf2) =	vadd.scan.msk.f32 $0xffff, v1  }
0x7c: {  	v0 =	vmul.f32 v0, v8;
	v1 =	vld [tilespmem:s23+$0xFFFFFF20]  }
0x7d: {  	v8 =	vld [tilespmem:s23+$0xFFFFFFA0]  }
0x7e: {  	v9 =	vadd.f32 v0, v2;
	v0 =	vmul.f32 v5, v3;
	v2 =	vld [tilespmem:s23+$0xFFFFFF30]  }
0x7f: {  	s24 =	sadd.s32 s24, s19;
	v3 =	vld [tilespmem:s23+$0xFFFFFFB0]  }
0x80: {  	s25 =	sadd.s32 $0x4, s24;
	s26 =	sadd.s32 $0x5, s24;
	s28 =	sadd.s32 $0x7, s24;
	v5 =	vmul.f32 v7, v6;
	v6 =	vld [tilespmem:s23+$0x0]  }
0x81: {  	s24 =	sadd.s32 $0x6, s24;
	v10 =	vmov s26;
	v13 =	vmov s28;
	v7 =	vmov s25;
	v12 =	vld [tilespmem:s23+$0x80]  }
0x82: {  	v15 =	vmov s24;
	v7 =	vand.u32 $0xFFFFFFFC, v7;
	v8 =	vmul.f32 v8, v1;
	v14 =	vld [tilespmem:s23+$0x10]  }
0x83: {  	v17 =	vand.u32 $0xFFFFFFFE, v15;
	v1 =	vbroadcast v7, $0x0;
	v7 =	vand.u32 $0xFFFFFFFD, v10;
	v10 =	vld [tilespmem:s23+$0x90]  }
0x84: {  	v8 =	vadd.f32 v8, v0;
	v3 =	vmul.f32 v3, v2;
	v2 =	vbroadcast v7, $0x0;
	v7 =	vld [tilespmem:s23+$0x20]  }
0x85: {  	v0 =	vbroadcast v17, $0x0;
	v16 =	vld [tilespmem:s23+$0xA0];
	v15, _, _ =	vpop (xrf2)  }
0x86: {  	v3 =	vadd.f32 v3, v5;
	v5 =	vmul.f32 v12, v6;
	v6 =	vld [tilespmem:s23+$0x30];
	[tilespmem:v13+s16+$0x0] =	vst.idx.msk vm0, v15  }
0x87: {  	v12 =	vld [tilespmem:s23+$0xB0]  }
0x88: {  	v13 =	vld [tilespmem:s23+$0xFFFFFE00];
	v10 =	vmul.f32 v10, v14  }
0x89: {  	v14 =	vld [tilespmem:s23+$0xFFFFFE40]  }
0x8a: {  	v15 =	vld [tilespmem:s23+$0xFFFFFEC0];
	v7 =	vmul.f32 v16, v7  }
0x8b: {  	v16 =	vld [tilespmem:s23+$0xFFFFFE50]  }
0x8c: {  	v17 =	vld [tilespmem:s23+$0xFFFFFED0];
	v7 =	vadd.f32 v7, v5;
	v5 =	vmul.f32 v12, v6  }
0x8d: {  	v6 =	vmul.f32 v11, v13;
	v11 =	vld [tilespmem:s23+$0xFFFFFF40]  }
0x8e: {  	v12 =	vld [tilespmem:s23+$0xFFFFFFC0];
	v10 =	vadd.f32 v5, v10  }
0x8f: {  	v4 =	vadd.f32 v4, v6;
	v5 =	vmul.f32 v15, v14;
	v6 =	vld [tilespmem:s23+$0xFFFFFF50]  }
0x90: {  	v13 =	vld [tilespmem:s23+$0xFFFFFFD0]  }
0x91: {  	v14 =	vadd.f32 v5, v4;
	v4 =	vmul.f32 v17, v16;
	v15 =	vld [tilespmem:s23+$0x40]  }
0x92: {  	v16 =	vld [tilespmem:s23+$0xC0]  }
0x93: {  	v17 =	vadd.f32 v4, v9;
	v4 =	vmul.f32 v12, v11;
	v9 =	vld [tilespmem:s23+$0x50]  }
0x94: {  	v11 =	vld [tilespmem:s23+$0xD0]  }
0x95: {  	v12 =	vld [tilespmem:s23+$0xFFFFFE60];
	v4 =	vadd.f32 v4, v8;
	v5 =	vmul.f32 v13, v6  }
0x96: {  	v6 =	vld [tilespmem:s23+$0xFFFFFEE0]  }
0x97: {  	v8 =	vld [tilespmem:s23+$0xFFFFFE70];
	v5 =	vadd.f32 v5, v3;
	v3 =	vmul.f32 v16, v15  }
0x98: {  	v15 =	vld [tilespmem:s23+$0xFFFFFEF0]  }
0x99: {  	v16 =	vld [tilespmem:s23+$0xFFFFFF60];
	v3 =	vadd.f32 v3, v7;
	v9 =	vmul.f32 v11, v9  }
0x9a: {  	v11 =	vld [tilespmem:s23+$0xFFFFFFE0]  }
0x9b: {  	v12 =	vmul.f32 v6, v12;
	v7 =	vld [tilespmem:s23+$0xFFFFFF70];
	v6 =	vadd.f32 v9, v10  }
.Ltmp0:
0x9c: {  	v9 =	vld [tilespmem:s23+$0xFFFFFFF0];
	(pc) =	sbr.rel @p1 .LBB2_3-.Ltmp0, $4  }
0x9d: {  	v13 =	vadd.f32 v12, v14;
	v12 =	vmul.f32 v15, v8;
	v8 =	vld [tilespmem:s23+$0x60]  }
0x9e: {  	v10 =	vld [tilespmem:s23+$0xE0]  }
0x9f: {  	v15 =	vadd.f32 v12, v17;
	v14 =	vmul.f32 v11, v16;
	v11 =	vld [tilespmem:s23+$0x70]  }
0xa0: {  	v12 =	vld [tilespmem:s23+$0xF0];
	s23 =	sadd.s32 $0x400, s23  }
0xa1: {  	_ =	sdelay $0x2  }
0xa2: {  	v7 =	vmul.f32 v9, v7  }
0xa3: {  	v9 =	vadd.f32 v15, v13;
	v8 =	vmul.f32 v10, v8;
	v10 =	vmul.f32 v12, v11  }
0xa4: {  	v4 =	vadd.f32 v14, v4;
	v5 =	vadd.f32 v7, v5  }
0xa5: {  	v3 =	vadd.f32 v8, v3;
	v6 =	vadd.f32 v10, v6  }
0xa6: {  	v4 =	vadd.f32 v5, v4  }
0xa7: {  	(xrf2) =	vadd.scan.msk.f32 $0xffff, v9;
	v3 =	vadd.f32 v6, v3  }
0xa8: {  	(xrf2) =	vadd.scan.msk.f32 $0xffff, v4  }
0xa9: {  	(xrf2) =	vadd.scan.msk.f32 $0xffff, v3;
	_ =	sdelay $0x7  }
0xaa: {  	v3, _, _ =	vpop (xrf2)  }
0xab: {  	[tilespmem:v1+s16+$0x0] =	vst.idx.msk vm0, v3;
	v1, _, _ =	vpop (xrf2)  }
0xac: {  	[tilespmem:v2+s16+$0x0] =	vst.idx.msk vm0, v1;
	v1, _, _ =	vpop (xrf2)  }
0xad: {  	[tilespmem:v0+s16+$0x0] =	vst.idx.msk vm0, v1  }
0xae: {  	_ =	swait.ge [sflag:s17], $0x4000  }
0xaf: {  	[sflag:s17] =	ssyncset.done $0x0  }
0xb0: {  	[sflag:s17] =	ssyncadd.s32 $0xFFFFC000  }
0xb1: {  	_ =	swait.ge [sflag:s17], $0x4000  }
0xb2: {  	s22 =	sadd.s32 @!p0 $0x300, s21;
	[sflag:s17] =	ssyncset.done $0x0  }
0xb3: {  	s23 =	simm.s32 @!p0 $0x80;
	s24 =	simm.s32 @!p0 $0xFC00;
	[sflag:s17] =	ssyncadd.s32 $0xFFFFC000  }
0xb4: {  	[tilespmem:s24], [sflag:$0x2] =	stream.indirect.gather @!p0 [hbm4b:s2+s23], $0x80, s22, s23, $0xb8;
	[tilespmem:$0x1BA00] =	vst v63  }
0xb5: {  	s21 =	sadd.s32 @!p0 $0x380, s21;
	s26 =	simm.s32 $0xFE00;
	s22 =	simm.s32 @!p0 $0x13C00  }
0xb6: {  	[tilespmem:s22], [sflag:$0x2] =	stream.indirect.gather @!p0 [hbm4b:s2+s23], $0x80, s21, s23, $0xb8;
	[tilespmem:$0x1BA00] =	vst v63  }
0xb7: {  	v0 =	vld [tilespmem:s26+$0x160]  }
0xb8: {  	v1 =	vld [tilespmem:s26+$0x1E0]  }
0xb9: {  	v2 =	vld [tilespmem:s26+$0x140]  }
0xba: {  	v3 =	vld [tilespmem:s26+$0x1C0]  }
0xbb: {  	v4 =	vld [tilespmem:s26+$0x100]  }
0xbc: {  	v5 =	vld [tilespmem:s26+$0x180]  }
0xbd: {  	v6 =	vld [tilespmem:s26+$0x110]  }
0xbe: {  	v7 =	vld [tilespmem:s26+$0x190]  }
0xbf: {  	v8 =	vld [tilespmem:s26+$0x120]  }
0xc0: {  	v9 =	vld [tilespmem:s26+$0x1A0]  }
0xc1: {  	v10 =	vld [tilespmem:s26+$0x130]  }
0xc2: {  	v11 =	vld [tilespmem:s26+$0x1B0]  }
0xc3: {  	v12 =	vld [tilespmem:s26+$0x150]  }
0xc4: {  	v13 =	vld [tilespmem:s26+$0x1D0]  }
0xc5: {  	v14 =	vld [tilespmem:s26+$0x170]  }
0xc6: {  	v15 =	vld [tilespmem:s26+$0x1F0]  }
0xc7: {  	v16 =	vld [tilespmem:s26+$0xFFFFFE80]  }
0xc8: {  	v17 =	vld [tilespmem:s26+$0xFFFFFE10]  }
0xc9: {  	v18 =	vld [tilespmem:s26+$0xFFFFFE90]  }
0xca: {  	v19 =	vld [tilespmem:s26+$0xFFFFFE20]  }
0xcb: {  	v20 =	vld [tilespmem:s26+$0xFFFFFEA0]  }
0xcc: {  	v21 =	vld [tilespmem:s26+$0xFFFFFE30]  }
0xcd: {  	v22 =	vld [tilespmem:s26+$0xFFFFFEB0]  }
0xce: {  	v23 =	vld [tilespmem:s26+$0xFFFFFF00]  }
0xcf: {  	v24 =	vld [tilespmem:s26+$0xFFFFFF80]  }
0xd0: {  	v25 =	vld [tilespmem:s26+$0xFFFFFF10]  }
0xd1: {  	v26 =	vld [tilespmem:s26+$0xFFFFFF90]  }
0xd2: {  	v27 =	vld [tilespmem:s26+$0xFFFFFF20]  }
0xd3: {  	v28 =	vld [tilespmem:s26+$0xFFFFFFA0]  }
0xd4: {  	v29 =	vld [tilespmem:s26+$0xFFFFFF30]  }
0xd5: {  	v30 =	vld [tilespmem:s26+$0xFFFFFFB0]  }
0xd6: {  	v31 =	vld [tilespmem:s26+$0x0]  }
0xd7: {  	v32 =	vld [tilespmem:s26+$0x80]  }
0xd8: {  	v33 =	vld [tilespmem:s26+$0x10]  }
0xd9: {  	v34 =	vld [tilespmem:s26+$0x90]  }
0xda: {  	v35 =	vld [tilespmem:s26+$0x20]  }
0xdb: {  	v36 =	vld [tilespmem:s26+$0xA0]  }
0xdc: {  	v37 =	vld [tilespmem:s26+$0x30]  }
0xdd: {  	v38 =	vld [tilespmem:s26+$0xB0]  }
0xde: {  	v39 =	vld [tilespmem:s26+$0xFFFFFE00]  }
0xdf: {  	v55 =	vld [tilespmem:s26+$0x50];
	v4 =	vmul.f32 v5, v4;
	v5 =	vmul.f32 v7, v6  }
0xe0: {  	v57 =	vld [tilespmem:s26+$0xFFFFFE60];
	v7 =	vmul.f32 v9, v8;
	v8 =	vmul.f32 v11, v10  }
0xe1: {  	v6 =	vld [tilespmem:s26+$0xFFFFFE40];
	v2 =	vmul.f32 v3, v2  }
0xe2: {  	v9 =	vld [tilespmem:s26+$0xFFFFFEC0];
	v4 =	vadd.f32 v7, v4;
	v5 =	vadd.f32 v8, v5;
	v7 =	vmul.f32 v13, v12  }
0xe3: {  	v3 =	vld [tilespmem:s26+$0xFFFFFE50];
	v0 =	vmul.f32 v1, v0  }
0xe4: {  	v1 =	vld [tilespmem:s26+$0xFFFFFF40];
	v2 =	vadd.f32 v2, v4;
	v4 =	vadd.f32 v7, v5;
	v5 =	vmul.f32 v15, v14  }
0xe5: {  	v10 =	vld [tilespmem:s26+$0xFFFFFF50];
	v11 =	vmul.f32 v20, v19  }
0xe6: {  	v54 =	vmul.f32 v30, v29;
	v8 =	vld [tilespmem:s26+$0xFFFFFED0];
	v0 =	vadd.f32 v0, v2;
	v2 =	vadd.f32 v5, v4  }
0xe7: {  	v56 =	vmul.f32 v36, v35;
	v58 =	vmul.f32 v38, v37;
	v13 =	vld [tilespmem:s26+$0x40]  }
0xe8: {  	v12 =	vmul.f32 v22, v21;
	v7 =	vld [tilespmem:s26+$0xFFFFFFC0];
	v4 =	vmul.f32 v18, v17;
	v0 =	vadd.f32 v2, v0  }
0xe9: {  	v14 =	vmul.f32 v26, v25;
	v15 =	vld [tilespmem:s26+$0xC0];
	v17 =	vmul.f32 v28, v27  }
0xea: {  	v5 =	vld [tilespmem:s26+$0xFFFFFFD0];
	v2 =	vmul.f32 v24, v23;
	(xrf2) =	vadd.scan.msk.f32 $0xffff, v0;
	v0 =	vadd.f32 v12, v4;
	v12 =	vmul.f32 v16, v39  }
0xeb: {  	v59 =	vld [tilespmem:s26+$0xFFFFFE70];
	v6 =	vmul.f32 v9, v6;
	v4 =	vmul.f32 v32, v31  }
0xec: {  	v16 =	vld [tilespmem:s26+$0xD0];
	v2 =	vadd.f32 v17, v2;
	v17 =	vmul.f32 v34, v33;
	v11 =	vadd.f32 v11, v12  }
0xed: {  	v9 =	vadd.f32 v54, v14;
	v3 =	vmul.f32 v8, v3;
	v12 =	vld [tilespmem:s26+$0xFFFFFEE0];
	v14 =	vadd.f32 v56, v4  }
0xee: {  	s28 =	sadd.s32 $0xFFFFFFFC, s19;
	v8 =	vmul.f32 v15, v13;
	v17 =	vadd.f32 v58, v17;
	v60 =	vadd.f32 v6, v11;
	v6 =	vld [tilespmem:s26+$0xFFFFFEF0]  }
0xef: {  	s29 =	sadd.s32 $0x84, s28;
	s30 =	sadd.s32 $0x87, s28;
	s31 =	sadd.s32 $0x85, s28;
	v62 =	vld [tilespmem:s26+$0xFFFFFF60];
	v61 =	vadd.f32 v3, v0;
	v0 =	vmul.f32 v7, v1;
	v3 =	vmul.f32 v5, v10  }
0xf0: {  	v63 =	vld [tilespmem:s26+$0xFFFFFFE0];
	v4 =	vmov s29;
	v1 =	vmov s30;
	v10 =	vmov s31  }
0xf1: {  	s21 =	sadd.s32 $0x86, s28;
	v7 =	vld [tilespmem:s26+$0xFFFFFF70];
	v11 =	vand.u32 $0xFFFFFFFC, v4;
	v4 =	vadd.f32 v0, v2;
	v5 =	vadd.f32 v3, v9  }
0xf2: {  	v0 =	vmov s21;
	v9 =	vld [tilespmem:s26+$0xFFFFFFF0];
	v13 =	vmul.f32 v16, v55;
	v12 =	vmul.f32 v12, v57  }
0xf3: {  	v3 =	vadd.f32 v8, v14;
	v8 =	vld [tilespmem:s26+$0x60];
	v2 =	vbroadcast v11, $0x0;
	v15 =	vmul.f32 v6, v59  }
0xf4: {  	v11 =	vand.u32 $0xFFFFFFFD, v10;
	v10 =	vld [tilespmem:s26+$0xE0];
	v6 =	vadd.f32 v13, v17;
	v13 =	vadd.f32 v12, v60;
	v14, _, _ =	vpop (xrf2)  }
0xf5: {  	v0 =	vand.u32 $0xFFFFFFFE, v0;
	v12 =	vld [tilespmem:s26+$0xF0];
	[tilespmem:v1+s16+$0x0] =	vst.idx.msk vm0, v14;
	v15 =	vadd.f32 v15, v61;
	v14 =	vmul.f32 v63, v62  }
0xf6: {  	s22 =	simm.s32 $0x10200;
	s21 =	simm.s32 $0x0;
	v0 =	vbroadcast v0, $0x0;
	v1 =	vbroadcast v11, $0x0;
	v11 =	vld [tilespmem:s26+$0x70]  }
.LBB2_5:
0xf7: {  	v16 =	vld [tilespmem:s22+$0x160];
	v13 =	vadd.f32 v15, v13;
	v4 =	vadd.f32 v14, v4;
	v7 =	vmul.f32 v9, v7;
	s23 =	smov.u32 s21  }
0xf8: {  	v9 =	vld [tilespmem:s22+$0x1E0]  }
0xf9: {  	v14 =	vld [tilespmem:s22+$0x140];
	v5 =	vadd.f32 v7, v5;
	v7 =	vmul.f32 v10, v8;
	(xrf2) =	vadd.scan.msk.f32 $0xffff, v13  }
0xfa: {  	v8 =	vld [tilespmem:s22+$0x1C0]  }
0xfb: {  	v10 =	vld [tilespmem:s22+$0x100];
	v4 =	vadd.f32 v5, v4;
	v3 =	vadd.f32 v7, v3;
	v5 =	vmul.f32 v12, v11  }
0xfc: {  	v7 =	vld [tilespmem:s22+$0x180]  }
0xfd: {  	v11 =	vld [tilespmem:s22+$0x110];
	v5 =	vadd.f32 v5, v6;
	(xrf2) =	vadd.scan.msk.f32 $0xffff, v4  }
0xfe: {  	v4 =	vld [tilespmem:s22+$0x190]  }
0xff: {  	v6 =	vld [tilespmem:s22+$0x120];
	v3 =	vadd.f32 v5, v3  }
0x100: {  	v5 =	vld [tilespmem:s22+$0x1A0]  }
0x101: {  	v12 =	vld [tilespmem:s22+$0x130];
	(xrf2) =	vadd.scan.msk.f32 $0xffff, v3  }
0x102: {  	s21 =	sadd.s32 $0x4, s21;
	v3 =	vld [tilespmem:s22+$0x1B0]  }
0x103: {  	p0 =	slt.u32 s21, $0x7C;
	v13 =	vld [tilespmem:s22+$0x150];
	v15, _, _ =	vpop (xrf2)  }
0x104: {  	v17 =	vld [tilespmem:s22+$0x1D0];
	[tilespmem:v2+s16+$0x0] =	vst.idx.msk vm0, v15  }
0x105: {  	v2 =	vld [tilespmem:s22+$0x170]  }
0x106: {  	v7 =	vmul.f32 v7, v10;
	v4 =	vmul.f32 v4, v11;
	v10 =	vld [tilespmem:s22+$0x1F0]  }
0x107: {  	v5 =	vmul.f32 v5, v6;
	v11 =	vld [tilespmem:s22+$0xFFFFFE80];
	v3 =	vmul.f32 v3, v12;
	v6, _, _ =	vpop (xrf2)  }
0x108: {  	v8 =	vmul.f32 v8, v14;
	v12 =	vld [tilespmem:s22+$0xFFFFFE10];
	[tilespmem:v1+s16+$0x0] =	vst.idx.msk vm0, v6  }
0x109: {  	v5 =	vadd.f32 v5, v7;
	v1 =	vld [tilespmem:s22+$0xFFFFFE90];
	v3 =	vadd.f32 v3, v4;
	v13 =	vmul.f32 v17, v13  }
0x10a: {  	v7 =	vmul.f32 v9, v16;
	v6 =	vld [tilespmem:s22+$0xFFFFFE20]  }
0x10b: {  	v5 =	vadd.f32 v8, v5;
	v9 =	vld [tilespmem:s22+$0xFFFFFEA0];
	v3 =	vadd.f32 v13, v3;
	v2 =	vmul.f32 v10, v2;
	v4, _, _ =	vpop (xrf2)  }
0x10c: {  	v8 =	vld [tilespmem:s22+$0xFFFFFE30];
	[tilespmem:v0+s16+$0x0] =	vst.idx.msk vm0, v4  }
0x10d: {  	v4 =	vadd.f32 v7, v5;
	v0 =	vld [tilespmem:s22+$0xFFFFFEB0];
	v2 =	vadd.f32 v2, v3  }
0x10e: {  	v1 =	vmul.f32 v1, v12;
	v3 =	vld [tilespmem:s22+$0xFFFFFF00]  }
0x10f: {  	v5 =	vld [tilespmem:s22+$0xFFFFFF80];
	v2 =	vadd.f32 v2, v4  }
0x110: {  	v4 =	vmul.f32 v9, v6;
	v6 =	vld [tilespmem:s22+$0xFFFFFF10]  }
0x111: {  	v7 =	vld [tilespmem:s22+$0xFFFFFF90];
	(xrf2) =	vadd.scan.msk.f32 $0xffff, v2  }
0x112: {  	v0 =	vmul.f32 v0, v8;
	v2 =	vld [tilespmem:s22+$0xFFFFFF20]  }
0x113: {  	v8 =	vld [tilespmem:s22+$0xFFFFFFA0]  }
0x114: {  	v9 =	vadd.f32 v0, v1;
	v0 =	vmul.f32 v5, v3;
	v1 =	vld [tilespmem:s22+$0xFFFFFF30]  }
0x115: {  	s23 =	sadd.s32 s23, s19;
	v3 =	vld [tilespmem:s22+$0xFFFFFFB0]  }
0x116: {  	s24 =	sadd.s32 $0x84, s23;
	s25 =	sadd.s32 $0x85, s23;
	s26 =	sadd.s32 $0x87, s23;
	v5 =	vmul.f32 v7, v6;
	v6 =	vld [tilespmem:s22+$0x0]  }
0x117: {  	s23 =	sadd.s32 $0x86, s23;
	v10 =	vmov s25;
	v13 =	vmov s26;
	v7 =	vmov s24;
	v12 =	vld [tilespmem:s22+$0x80]  }
0x118: {  	v15 =	vmov s23;
	v7 =	vand.u32 $0xFFFFFFFC, v7;
	v8 =	vmul.f32 v8, v2;
	v14 =	vld [tilespmem:s22+$0x10]  }
0x119: {  	v17 =	vand.u32 $0xFFFFFFFE, v15;
	v2 =	vbroadcast v7, $0x0;
	v7 =	vand.u32 $0xFFFFFFFD, v10;
	v10 =	vld [tilespmem:s22+$0x90]  }
0x11a: {  	v8 =	vadd.f32 v8, v0;
	v3 =	vmul.f32 v3, v1;
	v1 =	vbroadcast v7, $0x0;
	v7 =	vld [tilespmem:s22+$0x20]  }
0x11b: {  	v0 =	vbroadcast v17, $0x0;
	v16 =	vld [tilespmem:s22+$0xA0];
	v15, _, _ =	vpop (xrf2)  }
0x11c: {  	v3 =	vadd.f32 v3, v5;
	v5 =	vmul.f32 v12, v6;
	v6 =	vld [tilespmem:s22+$0x30];
	[tilespmem:v13+s16+$0x0] =	vst.idx.msk vm0, v15  }
0x11d: {  	v12 =	vld [tilespmem:s22+$0xB0]  }
0x11e: {  	v13 =	vld [tilespmem:s22+$0xFFFFFE00];
	v10 =	vmul.f32 v10, v14  }
0x11f: {  	v14 =	vld [tilespmem:s22+$0xFFFFFE40]  }
0x120: {  	v15 =	vld [tilespmem:s22+$0xFFFFFEC0];
	v7 =	vmul.f32 v16, v7  }
0x121: {  	v16 =	vld [tilespmem:s22+$0xFFFFFE50]  }
0x122: {  	v17 =	vld [tilespmem:s22+$0xFFFFFED0];
	v7 =	vadd.f32 v7, v5;
	v5 =	vmul.f32 v12, v6  }
0x123: {  	v6 =	vmul.f32 v11, v13;
	v11 =	vld [tilespmem:s22+$0xFFFFFF40]  }
0x124: {  	v12 =	vld [tilespmem:s22+$0xFFFFFFC0];
	v10 =	vadd.f32 v5, v10  }
0x125: {  	v4 =	vadd.f32 v4, v6;
	v5 =	vmul.f32 v15, v14;
	v6 =	vld [tilespmem:s22+$0xFFFFFF50]  }
0x126: {  	v13 =	vld [tilespmem:s22+$0xFFFFFFD0]  }
0x127: {  	v14 =	vadd.f32 v5, v4;
	v4 =	vmul.f32 v17, v16;
	v15 =	vld [tilespmem:s22+$0x40]  }
0x128: {  	v16 =	vld [tilespmem:s22+$0xC0]  }
0x129: {  	v17 =	vadd.f32 v4, v9;
	v4 =	vmul.f32 v12, v11;
	v9 =	vld [tilespmem:s22+$0x50]  }
0x12a: {  	v11 =	vld [tilespmem:s22+$0xD0]  }
0x12b: {  	v12 =	vld [tilespmem:s22+$0xFFFFFE60];
	v4 =	vadd.f32 v4, v8;
	v5 =	vmul.f32 v13, v6  }
0x12c: {  	v6 =	vld [tilespmem:s22+$0xFFFFFEE0]  }
0x12d: {  	v8 =	vld [tilespmem:s22+$0xFFFFFE70];
	v5 =	vadd.f32 v5, v3;
	v3 =	vmul.f32 v16, v15  }
0x12e: {  	v15 =	vld [tilespmem:s22+$0xFFFFFEF0]  }
0x12f: {  	v16 =	vld [tilespmem:s22+$0xFFFFFF60];
	v3 =	vadd.f32 v3, v7;
	v9 =	vmul.f32 v11, v9  }
0x130: {  	v11 =	vld [tilespmem:s22+$0xFFFFFFE0]  }
0x131: {  	v12 =	vmul.f32 v6, v12;
	v7 =	vld [tilespmem:s22+$0xFFFFFF70];
	v6 =	vadd.f32 v9, v10  }
.Ltmp1:
0x132: {  	v9 =	vld [tilespmem:s22+$0xFFFFFFF0];
	(pc) =	sbr.rel @p0 .LBB2_5-.Ltmp1, $4  }
0x133: {  	v13 =	vadd.f32 v12, v14;
	v12 =	vmul.f32 v15, v8;
	v8 =	vld [tilespmem:s22+$0x60]  }
0x134: {  	v10 =	vld [tilespmem:s22+$0xE0]  }
0x135: {  	v15 =	vadd.f32 v12, v17;
	v14 =	vmul.f32 v11, v16;
	v11 =	vld [tilespmem:s22+$0x70]  }
0x136: {  	v12 =	vld [tilespmem:s22+$0xF0];
	s22 =	sadd.s32 $0x400, s22  }
0x137: {  	_ =	sdelay $0x2  }
0x138: {  	v7 =	vmul.f32 v9, v7  }
0x139: {  	v59 =	vadd.f32 v15, v13;
	v8 =	vmul.f32 v10, v8;
	v60 =	vmul.f32 v12, v11  }
0x13a: {  	v4 =	vadd.f32 v14, v4;
	v5 =	vadd.f32 v7, v5  }
0x13b: {  	v3 =	vadd.f32 v8, v3;
	v6 =	vadd.f32 v60, v6  }
0x13c: {  	v4 =	vadd.f32 v5, v4  }
0x13d: {  	(xrf2) =	vadd.scan.msk.f32 $0xffff, v59;
	v3 =	vadd.f32 v6, v3  }
0x13e: {  	(xrf2) =	vadd.scan.msk.f32 $0xffff, v4  }
0x13f: {  	(xrf2) =	vadd.scan.msk.f32 $0xffff, v3;
	_ =	sdelay $0x4  }
0x140: {  	s20 =	sadd.s32 $0x1, s20  }
0x141: {  	p0 =	sne.s32 s20, $0x3E  }
.Ltmp2:
0x142: {  	_ = 	snop;
	(pc) =	sbr.rel @p0 .LBB2_2-.Ltmp2, $4  }
0x143: {  	v61, _, _ =	vpop (xrf2)  }
0x144: {  	[tilespmem:v2+s16+$0x0] =	vst.idx.msk vm0, v61;
	v62, _, _ =	vpop (xrf2)  }
0x145: {  	[tilespmem:v1+s16+$0x0] =	vst.idx.msk vm0, v62;
	v63, _, _ =	vpop (xrf2)  }
0x146: {  	s19 =	sadd.s32 $0x100, s19;
	[tilespmem:v0+s16+$0x0] =	vst.idx.msk vm0, v63  }
0x147: {  	s18 =	sadd.s32 $0x1, s18  }
0x148: {  	p0 =	sne.s32 s18, s6  }
.Ltmp3:
0x149: {  	_ = 	snop;
	(pc) =	sbr.rel @p0 .LBB2_1-.Ltmp3, $4  }
0x14a: {  	[hbm4b:s5+s3] =	stream.linear.scatter [tilespmem:s16], [sflag:$0x3], $0x3E00, $0x38;
	[tilespmem:$0x1BA00] =	vst v63  }
0x14b: {  	_ =	swait.ge [sflag:s7], $0x3E00  }
0x14c: {  	[sflag:s7] =	ssyncset.done $0x0  }
0x14d: {  	[sflag:s7] =	ssyncadd.s32 $0xFFFFC200  }
0x14e: {  	_ =	sfence.sel $0x180000  }
0x14f: {  	[bflag:$0x0] =	sbarrier.arrive $0xFFFF  }
0x150: {  	p0 =	sne.s32 s0, $0x0;
	_ =	strace $0x90000047  }
0x151: {  	s0 =	sadd.s32 @!p0 $0x100000, s1;
	[bflag:$0x2] =	sbarrier.arrive $0xFFFF  }
0x152: {  	[sflag:s0] =	ssyncadd.tile.s32 @!p0 $0x1;
	_ =	shalt  }
.Lfunc_end2:
_tile_overlayer_lowered:
.L_overlay_start_2:
0x153: {  	(tag) =	ssettag $0x2  }
0x154: {  	s0 =	rddreg [dreg:$0x0];
	s2 =	stileid.u32  }
0x155: {  	s1 =	rddreg [dreg:$0x1];
	p0 =	sne.s32 s2, $0x0  }
0x156: {  	s3 =	rddreg [dreg:$0x2];
	[bflag:$0x3] =	sbarrier.arrive $0xFFFF;
	s2 =	simm.s32 @!p0 $0x1C03  }
0x157: {  	[timem:s3], [sflag:s2] =	dma.local @!p0 [hbm:s0], s1  }
0x158: {  	s0 =	simm.s32 @!p0 $0x3  }
0x159: {  	_ =	swait.ge @!p0 [sflag:s0], s1  }
0x15a: {  	s1 =	ssub.s32 @!p0 $0x0, s1;
	[sflag:s0] =	ssyncset.done @!p0 $0x0  }
0x15b: {  	[sflag:s0] =	ssyncadd.s32 @!p0 s1  }
0x15c: {  	[bflag:$0x3] =	sbarrier.arrive $0xFFFF  }
0x15d: {  	_ =	shalt  }

</sc_bundles>
